<compile_context>
chip_gen: v7x
topology: tpu7x:2x2x1
jax: 0.10.2.dev20260603
libtpu: 0.0.44.dev20260713+nightly
codegen_flags: <defaults>
</compile_context>

<pallas_src>
import functools

import jax
import jax.numpy as jnp
from jax import lax
from jax.experimental import pallas as pl
from jax.experimental.pallas import tpu as pltpu
from jax.experimental.pallas import tpu_sc as plsc

NC = 2
NS = 16
NW = NC * NS
CHUNK = 128
DEPTH = 4
EPS = 1e-5




def _deg_kernel(E_pad, N_pad):
    epw = E_pad // NW
    n_chunks = epw // CHUNK
    rpt = N_pad // NS
    mesh = plsc.VectorSubcoreMesh(core_axis_name="c", subcore_axis_name="s")

    @functools.partial(
        pl.kernel,
        out_type=jax.ShapeDtypeStruct((NC * N_pad,), jnp.float32),
        mesh=mesh,
        scratch_types=[
            pltpu.VMEM((n_chunks, 1, CHUNK), jnp.int32),
            pltpu.VMEM((CHUNK,), jnp.float32),
            pltpu.VMEM_SHARED((N_pad,), jnp.float32),
            pltpu.SemaphoreType.DMA,
        ],
    )
    def body(dst_hbm, ones_hbm, zvec_hbm, out_hbm, idx_v, ones_v, acc_sh, sem):
        c = lax.axis_index("c")
        s = lax.axis_index("s")
        r0 = s * rpt
        w = c * NS + s
        pltpu.sync_copy(zvec_hbm, acc_sh.at[pl.ds(r0, rpt)])
        pltpu.sync_copy(ones_hbm, ones_v)
        pltpu.sync_copy(dst_hbm.at[w], idx_v)
        plsc.subcore_barrier()

        def step(k, carry):
            pl.when(k >= DEPTH)(
                lambda: pltpu.make_async_copy(
                    ones_v, acc_sh.at[idx_v.at[k - DEPTH, 0]], sem).wait())
            pltpu.async_copy(ones_v, acc_sh.at[idx_v.at[k, 0]], sem, add=True)
            return carry

        lax.fori_loop(0, n_chunks, step, 0)
        for k in range(n_chunks - DEPTH, n_chunks):
            pltpu.make_async_copy(ones_v, acc_sh.at[idx_v.at[k, 0]], sem).wait()
        plsc.subcore_barrier()
        pltpu.sync_copy(acc_sh.at[pl.ds(r0, rpt)],
                        out_hbm.at[pl.ds(c * N_pad + r0, rpt)])

    return body


def _agg_kernel(E_pad, N_pad, D):
    k = E_pad // NW // CHUNK
    rpt = N_pad // NS
    mesh = plsc.VectorSubcoreMesh(core_axis_name="c", subcore_axis_name="s")

    @functools.partial(
        pl.kernel,
        out_type=jax.ShapeDtypeStruct((NC, N_pad, D), jnp.float32),
        mesh=mesh,
        scratch_types=[
            pltpu.VMEM((DEPTH, 2, 1, CHUNK), jnp.int32),
            pltpu.VMEM((2, CHUNK, D), jnp.float32),
            pltpu.VMEM_SHARED((N_pad, D), jnp.float32),
            pltpu.SemaphoreType.DMA,
            pltpu.SemaphoreType.DMA,
        ],
    )
    def body(src_hbm, dst_hbm, hp_hbm, out_hbm,
             ebuf, rows, acc_sh, sem_i, sem_g):
        c = lax.axis_index("c")
        s = lax.axis_index("s")
        r0 = s * rpt
        base = (c * NS + s) * k

        def zrow(r, carry):
            for q in range(D // 16):
                rows[0, r, pl.ds(q * 16, 16)] = jnp.zeros((16,), jnp.float32)
            return carry

        lax.fori_loop(0, CHUNK, zrow, 0)
        for q in range(rpt // CHUNK):
            pltpu.sync_copy(rows.at[0],
                            acc_sh.at[pl.ds(r0 + q * CHUNK, CHUNK)])
        plsc.subcore_barrier()

        def idx_load(t, j):
            pltpu.async_copy(src_hbm.at[base + t], ebuf.at[j, 0], sem_i)
            pltpu.async_copy(dst_hbm.at[base + t], ebuf.at[j, 1], sem_i)

        def wait_idx(t, j):
            pltpu.make_async_copy(src_hbm.at[base + t], ebuf.at[j, 0],
                                  sem_i).wait()
            pltpu.make_async_copy(dst_hbm.at[base + t], ebuf.at[j, 1],
                                  sem_i).wait()

        def gather(t, j, b):
            pltpu.async_copy(hp_hbm.at[ebuf.at[j, 0, 0]], rows.at[b], sem_g)

        def wait_gather(t, j, b):
            pltpu.make_async_copy(
                hp_hbm.at[ebuf.at[j, 0, 0]], rows.at[b], sem_g).wait()

        def scatter(t, j, b):
            pass

        for t in range(3):
            idx_load(t, t)
        wait_idx(0, 0)
        gather(0, 0, 0)

        def step(i, carry):
            t0 = i * DEPTH
            for u in range(DEPTH):
                tt = t0 + u
                j, b = u, u % 2
                jn, bn = (u + 1) % DEPTH, (u + 1) % 2

                def _next(tt=tt, jn=jn, bn=bn):
                    wait_idx(tt + 1, jn)
                    gather(tt + 1, jn, bn)

                pl.when(tt + 1 < k)(_next)
                pl.when(tt + 3 < k)(
                    lambda tt=tt, u=u: idx_load(tt + 3, (u + 3) % DEPTH))
                wait_gather(tt, j, b)
                scatter(tt, j, b)
            return carry

        lax.fori_loop(0, k // DEPTH, step, 0)
        plsc.subcore_barrier()
        pl.when(s == 0)(
            lambda: pltpu.sync_copy(acc_sh, out_hbm.at[c]))

    return body




def _hprime(x_pad, Wm, deg_parts):
    N_pad, D = x_pad.shape

    def body(x_ref, w_ref, dp_ref, o_ref):
        deg = dp_ref[0, :] + dp_ref[1, :] + 1.0
        dinv = lax.rsqrt(deg)
        h = jnp.dot(x_ref[...], w_ref[...], preferred_element_type=jnp.float32)
        o_ref[...] = h * dinv[:, None]

    return pl.pallas_call(
        body,
        out_shape=jax.ShapeDtypeStruct((N_pad, D), jnp.float32),
    )(x_pad, Wm, deg_parts)


def _finalize(acc, hp, deg_parts, b2, g2, be2, n):
    _, N_pad, D = acc.shape

    def body(acc_ref, hp_ref, dp_ref, b_ref, g_ref, be_ref, o_ref):
        deg = dp_ref[0, :n] + dp_ref[1, :n] + 1.0
        dinv = lax.rsqrt(deg)
        tot = acc_ref[0, :n, :] + acc_ref[1, :n, :] + hp_ref[:n, :]
        pre = tot * dinv[:, None] + b_ref[...]
        mean = jnp.mean(pre, axis=0, keepdims=True)
        var = jnp.mean((pre - mean) ** 2, axis=0, keepdims=True)
        out = (pre - mean) * lax.rsqrt(var + EPS)
        o_ref[...] = jnp.maximum(out * g_ref[...] + be_ref[...], 0.0)

    return pl.pallas_call(
        body,
        out_shape=jax.ShapeDtypeStruct((n, D), jnp.float32),
    )(acc, hp, deg_parts, b2, g2, be2)




def kernel(x, edge_index, W, b, gamma, beta):
    N, D = x.shape
    E = edge_index.shape[1]
    src = edge_index[0].astype(jnp.int32)
    dst = edge_index[1].astype(jnp.int32)

    grain = NW * CHUNK * DEPTH
    E_pad = -(-E // grain) * grain
    N_pad = -(-(N + 1) // (NS * 128)) * (NS * 128)
    epw = E_pad // NW

    n_fill = E_pad - E
    fill = jnp.arange(n_fill, dtype=jnp.int32)
    src_pad = jnp.concatenate([src, fill % N])
    dst_pad = jnp.concatenate([dst, N + fill % (N_pad - N)])
    x_pad = jnp.pad(x, ((0, N_pad - N), (0, 0)))

    dst_l = dst_pad.reshape(NW, epw // CHUNK, 1, CHUNK)
    src_s = src_pad.reshape(E_pad // CHUNK, 1, CHUNK)
    dst_s = dst_pad.reshape(E_pad // CHUNK, 1, CHUNK)

    ones_c = jnp.ones((CHUNK,), jnp.float32)
    zvec = jnp.zeros((N_pad // NS,), jnp.float32)

    deg_parts = _deg_kernel(E_pad, N_pad)(dst_l, ones_c, zvec).reshape(NC, N_pad)
    hp = _hprime(x_pad, W, deg_parts)
    acc = _agg_kernel(E_pad, N_pad, D)(src_s, dst_s, hp)
    return _finalize(acc, hp, deg_parts,
                     b.reshape(1, D), gamma.reshape(1, D), beta.reshape(1, D), N)

# --- scband reference (transcript-rebuilt; emitter-appended) ---
"""Pipeline reference for scband-gcnsub-module-1451698946200 (READ-ONLY COPY).

The authoritative reference and input builder live on the scoring server;
editing this copy changes nothing except your own understanding.
"""

import jax, jax.numpy as jnp
import numpy as np

N_NODES = 10000
N_EDGES = 320000
D_IN = 128
D_OUT = 128
EPS = 1e-5


def setup_inputs(seed: int = 0) -> dict:
    key = jax.random.key(seed)
    k1, k2, k3, k4 = jax.random.split(key, 4)
    x = jax.random.normal(k1, (N_NODES, D_IN), dtype=jnp.float32)
    edge_index = jax.random.randint(k2, (2, N_EDGES), 0, N_NODES, dtype=jnp.int64)
    # GCNConv linear weight (glorot) and bias
    W = jax.random.normal(k3, (D_IN, D_OUT), dtype=jnp.float32) * (1.0 / np.sqrt(D_IN))
    b = jnp.zeros((D_OUT,), dtype=jnp.float32)
    # BatchNorm1d affine params
    gamma = jnp.ones((D_OUT,), dtype=jnp.float32)
    beta = jnp.zeros((D_OUT,), dtype=jnp.float32)
    return {"x": x, "edge_index": edge_index, "W": W, "b": b, "gamma": gamma, "beta": beta}


def reference(x, edge_index, W, b, gamma, beta):
    N = x.shape[0]
    # --- GCNConv: symmetric-normalized aggregation with self-loops ---
    src = edge_index[0]
    dst = edge_index[1]
    loop = jnp.arange(N, dtype=edge_index.dtype)
    src = jnp.concatenate([src, loop])
    dst = jnp.concatenate([dst, loop])
    # linear transform first (in_dim == out_dim here)
    h = x @ W
    # degree computed on destination (col) with unit edge weights, incl. self-loops
    deg = jnp.zeros((N,), dtype=x.dtype).at[dst].add(1.0)
    deg_inv_sqrt = jnp.where(deg > 0, 1.0 / jnp.sqrt(deg), 0.0)
    norm = deg_inv_sqrt[src] * deg_inv_sqrt[dst]
    msg = norm[:, None] * jnp.take(h, src, axis=0)
    out = jnp.zeros((N, h.shape[1]), dtype=x.dtype).at[dst].add(msg)
    out = out + b
    # --- BatchNorm1d (training-mode stats over nodes) ---
    mean = jnp.mean(out, axis=0)
    var = jnp.mean((out - mean) ** 2, axis=0)
    out = (out - mean) / jnp.sqrt(var + EPS)
    out = out * gamma + beta
    # --- ReLU ---
    out = jax.nn.relu(out)
    return out


if False:  # reference __main__ guard neutralized (emitter)
    inp = setup_inputs()
    y = reference(**inp)
    print(y.shape, y.dtype)

if __name__ == "__main__":
    import jax
    _d = setup_inputs()
    print(jax.jit(kernel)(*tuple(_d.values())))

</pallas_src>

<mosaic_0001>
#map = affine_map<(d0, d1) -> (0, 0, 0)>
#map1 = affine_map<(d0, d1) -> (0, 0)>
module attributes {stable_mosaic.version = 14 : i64} {
  func.func @body(%arg0: i32, %arg1: i32, %arg2: memref<2560x1x128xi32, #tpu.memory_space<hbm>>, %arg3: memref<2560x1x128xi32, #tpu.memory_space<hbm>>, %arg4: memref<10240x128xf32, #tpu.memory_space<hbm>>, %arg5: memref<2x10240x128xf32, #tpu.memory_space<hbm>>, %arg6: memref<4x2x1x128xi32, #tpu.memory_space<vmem>>, %arg7: memref<2x128x128xf32, #tpu.memory_space<vmem>>, %arg8: memref<10240x128xf32, #tpu.memory_space<vmem_shared>>, %arg9: memref<!tpu.dma_semaphore, #tpu.memory_space<semaphore_mem>>, %arg10: memref<!tpu.dma_semaphore, #tpu.memory_space<semaphore_mem>>) attributes {dimension_semantics = [#tpu.dimension_semantics<core_parallel>, #tpu.dimension_semantics<subcore_parallel>], iteration_bounds = array<i64: 2, 16>, scalar_prefetch = 0 : i64, scratch_operands = 5 : i64, tpu.core_type = #tpu.core_type<sc_vector_subcore>, window_params = [{transform_indices = #map}, {transform_indices = #map}, {transform_indices = #map1}, {transform_indices = #map}]} {
    %mul3A = arith.constant 640 : i32
    %mul3A_0 = arith.muli %arg1, %mul3A : i32
    %mul3A_1 = arith.constant 16 : i32
    %mul3A_2 = arith.muli %arg0, %mul3A_1 : i32
    %add3A = arith.addi %mul3A_2, %arg1 : i32
    %mul3A_3 = arith.constant 80 : i32
    %mul3A_4 = arith.muli %add3A, %mul3A_3 : i32
    %scan3A = arith.constant 0 : i32
    %scan3A_5 = arith.constant 0 : i32
    %scan3A_6 = arith.constant 128 : i32
    %scan3A_7 = arith.addi %scan3A_5, %scan3A_6 : i32
    %scan3A_8 = arith.constant 1 : i32
    scf.for %scan3A_205 = %scan3A_5 to %scan3A_7 step %scan3A_8  : i32 {
      %broadcast_in_dim3A = arith.constant 0.000000e+00 : f32
      %broadcast_in_dim3A_206 = vector.broadcast %broadcast_in_dim3A : f32 to vector<16xf32>
      %swap3A = arith.constant 0 : i32
      %swap3A_207 = arith.index_cast %swap3A : i32 to index
      %swap3A_208 = arith.index_cast %scan3A_205 : i32 to index
      %swap3A_209 = arith.constant 0 : index
      %swap3A_210 = tpu.vector_load %arg7[%swap3A_207, %swap3A_208, %swap3A_209] {strides = array<i32>} : memref<2x128x128xf32, #tpu.memory_space<vmem>>, vector<1x1x16xf32>,
      %swap3A_211 = vector.shape_cast %swap3A_210 : vector<1x1x16xf32> to vector<16xf32>
      %swap3A_212 = vector.shape_cast %broadcast_in_dim3A_206 : vector<16xf32> to vector<1x1x16xf32>
      tpu.vector_store %arg7[%swap3A_207, %swap3A_208, %swap3A_209], %swap3A_212 {strides = array<i32>} : memref<2x128x128xf32, #tpu.memory_space<vmem>>, vector<1x1x16xf32>,
      %broadcast_in_dim3A_213 = arith.constant 0.000000e+00 : f32
      %broadcast_in_dim3A_214 = vector.broadcast %broadcast_in_dim3A_213 : f32 to vector<16xf32>
      %swap3A_215 = arith.constant 0 : i32
      %swap3A_216 = arith.index_cast %swap3A_215 : i32 to index
      %swap3A_217 = arith.index_cast %scan3A_205 : i32 to index
      %swap3A_218 = arith.constant 16 : index
      %swap3A_219 = tpu.vector_load %arg7[%swap3A_216, %swap3A_217, %swap3A_218] {strides = array<i32>} : memref<2x128x128xf32, #tpu.memory_space<vmem>>, vector<1x1x16xf32>,
      %swap3A_220 = vector.shape_cast %swap3A_219 : vector<1x1x16xf32> to vector<16xf32>
      %swap3A_221 = vector.shape_cast %broadcast_in_dim3A_214 : vector<16xf32> to vector<1x1x16xf32>
      tpu.vector_store %arg7[%swap3A_216, %swap3A_217, %swap3A_218], %swap3A_221 {strides = array<i32>} : memref<2x128x128xf32, #tpu.memory_space<vmem>>, vector<1x1x16xf32>,
      %broadcast_in_dim3A_222 = arith.constant 0.000000e+00 : f32
      %broadcast_in_dim3A_223 = vector.broadcast %broadcast_in_dim3A_222 : f32 to vector<16xf32>
      %swap3A_224 = arith.constant 0 : i32
      %swap3A_225 = arith.index_cast %swap3A_224 : i32 to index
      %swap3A_226 = arith.index_cast %scan3A_205 : i32 to index
      %swap3A_227 = arith.constant 32 : index
      %swap3A_228 = tpu.vector_load %arg7[%swap3A_225, %swap3A_226, %swap3A_227] {strides = array<i32>} : memref<2x128x128xf32, #tpu.memory_space<vmem>>, vector<1x1x16xf32>,
      %swap3A_229 = vector.shape_cast %swap3A_228 : vector<1x1x16xf32> to vector<16xf32>
      %swap3A_230 = vector.shape_cast %broadcast_in_dim3A_223 : vector<16xf32> to vector<1x1x16xf32>
      tpu.vector_store %arg7[%swap3A_225, %swap3A_226, %swap3A_227], %swap3A_230 {strides = array<i32>} : memref<2x128x128xf32, #tpu.memory_space<vmem>>, vector<1x1x16xf32>,
      %broadcast_in_dim3A_231 = arith.constant 0.000000e+00 : f32
      %broadcast_in_dim3A_232 = vector.broadcast %broadcast_in_dim3A_231 : f32 to vector<16xf32>
      %swap3A_233 = arith.constant 0 : i32
      %swap3A_234 = arith.index_cast %swap3A_233 : i32 to index
      %swap3A_235 = arith.index_cast %scan3A_205 : i32 to index
      %swap3A_236 = arith.constant 48 : index
      %swap3A_237 = tpu.vector_load %arg7[%swap3A_234, %swap3A_235, %swap3A_236] {strides = array<i32>} : memref<2x128x128xf32, #tpu.memory_space<vmem>>, vector<1x1x16xf32>,
      %swap3A_238 = vector.shape_cast %swap3A_237 : vector<1x1x16xf32> to vector<16xf32>
      %swap3A_239 = vector.shape_cast %broadcast_in_dim3A_232 : vector<16xf32> to vector<1x1x16xf32>
      tpu.vector_store %arg7[%swap3A_234, %swap3A_235, %swap3A_236], %swap3A_239 {strides = array<i32>} : memref<2x128x128xf32, #tpu.memory_space<vmem>>, vector<1x1x16xf32>,
      %broadcast_in_dim3A_240 = arith.constant 0.000000e+00 : f32
      %broadcast_in_dim3A_241 = vector.broadcast %broadcast_in_dim3A_240 : f32 to vector<16xf32>
      %swap3A_242 = arith.constant 0 : i32
      %swap3A_243 = arith.index_cast %swap3A_242 : i32 to index
      %swap3A_244 = arith.index_cast %scan3A_205 : i32 to index
      %swap3A_245 = arith.constant 64 : index
      %swap3A_246 = tpu.vector_load %arg7[%swap3A_243, %swap3A_244, %swap3A_245] {strides = array<i32>} : memref<2x128x128xf32, #tpu.memory_space<vmem>>, vector<1x1x16xf32>,
      %swap3A_247 = vector.shape_cast %swap3A_246 : vector<1x1x16xf32> to vector<16xf32>
      %swap3A_248 = vector.shape_cast %broadcast_in_dim3A_241 : vector<16xf32> to vector<1x1x16xf32>
      tpu.vector_store %arg7[%swap3A_243, %swap3A_244, %swap3A_245], %swap3A_248 {strides = array<i32>} : memref<2x128x128xf32, #tpu.memory_space<vmem>>, vector<1x1x16xf32>,
      %broadcast_in_dim3A_249 = arith.constant 0.000000e+00 : f32
      %broadcast_in_dim3A_250 = vector.broadcast %broadcast_in_dim3A_249 : f32 to vector<16xf32>
      %swap3A_251 = arith.constant 0 : i32
      %swap3A_252 = arith.index_cast %swap3A_251 : i32 to index
      %swap3A_253 = arith.index_cast %scan3A_205 : i32 to index
      %swap3A_254 = arith.constant 80 : index
      %swap3A_255 = tpu.vector_load %arg7[%swap3A_252, %swap3A_253, %swap3A_254] {strides = array<i32>} : memref<2x128x128xf32, #tpu.memory_space<vmem>>, vector<1x1x16xf32>,
      %swap3A_256 = vector.shape_cast %swap3A_255 : vector<1x1x16xf32> to vector<16xf32>
      %swap3A_257 = vector.shape_cast %broadcast_in_dim3A_250 : vector<16xf32> to vector<1x1x16xf32>
      tpu.vector_store %arg7[%swap3A_252, %swap3A_253, %swap3A_254], %swap3A_257 {strides = array<i32>} : memref<2x128x128xf32, #tpu.memory_space<vmem>>, vector<1x1x16xf32>,
      %broadcast_in_dim3A_258 = arith.constant 0.000000e+00 : f32
      %broadcast_in_dim3A_259 = vector.broadcast %broadcast_in_dim3A_258 : f32 to vector<16xf32>
      %swap3A_260 = arith.constant 0 : i32
      %swap3A_261 = arith.index_cast %swap3A_260 : i32 to index
      %swap3A_262 = arith.index_cast %scan3A_205 : i32 to index
      %swap3A_263 = arith.constant 96 : index
      %swap3A_264 = tpu.vector_load %arg7[%swap3A_261, %swap3A_262, %swap3A_263] {strides = array<i32>} : memref<2x128x128xf32, #tpu.memory_space<vmem>>, vector<1x1x16xf32>,
      %swap3A_265 = vector.shape_cast %swap3A_264 : vector<1x1x16xf32> to vector<16xf32>
      %swap3A_266 = vector.shape_cast %broadcast_in_dim3A_259 : vector<16xf32> to vector<1x1x16xf32>
      tpu.vector_store %arg7[%swap3A_261, %swap3A_262, %swap3A_263], %swap3A_266 {strides = array<i32>} : memref<2x128x128xf32, #tpu.memory_space<vmem>>, vector<1x1x16xf32>,
      %broadcast_in_dim3A_267 = arith.constant 0.000000e+00 : f32
      %broadcast_in_dim3A_268 = vector.broadcast %broadcast_in_dim3A_267 : f32 to vector<16xf32>
      %swap3A_269 = arith.constant 0 : i32
      %swap3A_270 = arith.index_cast %swap3A_269 : i32 to index
      %swap3A_271 = arith.index_cast %scan3A_205 : i32 to index
      %swap3A_272 = arith.constant 112 : index
      %swap3A_273 = tpu.vector_load %arg7[%swap3A_270, %swap3A_271, %swap3A_272] {strides = array<i32>} : memref<2x128x128xf32, #tpu.memory_space<vmem>>, vector<1x1x16xf32>,
      %swap3A_274 = vector.shape_cast %swap3A_273 : vector<1x1x16xf32> to vector<16xf32>
      %swap3A_275 = vector.shape_cast %broadcast_in_dim3A_268 : vector<16xf32> to vector<1x1x16xf32>
      tpu.vector_store %arg7[%swap3A_270, %swap3A_271, %swap3A_272], %swap3A_275 {strides = array<i32>} : memref<2x128x128xf32, #tpu.memory_space<vmem>>, vector<1x1x16xf32>,
    }
    %scan3A_9 = arith.constant 128 : i32
    %add3A_10 = arith.constant 0 : i32
    %add3A_11 = arith.addi %mul3A_0, %add3A_10 : i32
    %run_scoped3A = arith.constant 0 : i32
    "tpu.region"() ({
      %run_scoped3A_205 = tpu.sem_alloc : memref<!tpu.dma_semaphore, #tpu.memory_space<semaphore_mem>>
      %dma_start3A_206 = arith.constant 0 : i32
      %dma_start3A_207 = arith.constant 0 : i32
      %dma_start3A_208 = tpu.memref_slice %arg7[%run_scoped3A, %dma_start3A_206, %dma_start3A_207] : memref<2x128x128xf32, #tpu.memory_space<vmem>> -> memref<1x128x128xf32, #tpu.memory_space<vmem>>
      %dma_start3A_209 = tpu.memref_squeeze %dma_start3A_208 : memref<1x128x128xf32, #tpu.memory_space<vmem>> -> memref<128x128xf32, #tpu.memory_space<vmem>>
      %dma_start3A_210 = arith.constant 0 : i32
      %dma_start3A_211 = tpu.memref_slice %arg8[%add3A_11, %dma_start3A_210] : memref<10240x128xf32, #tpu.memory_space<vmem_shared>> -> memref<128x128xf32, #tpu.memory_space<vmem_shared>>
      %dma_start3A_212 = arith.constant 0 : i32
      %dma_start3A_213 = tpu.memref_slice %arg8[%add3A_11, %dma_start3A_212] : memref<10240x128xf32, #tpu.memory_space<vmem_shared>> -> memref<128x128xf32, #tpu.memory_space<vmem_shared>>
      %dma_start3A_214 = arith.constant 0 : i32
      %dma_start3A_215 = arith.constant 0 : i32
      %dma_start3A_216 = tpu.memref_slice %arg7[%run_scoped3A, %dma_start3A_214, %dma_start3A_215] : memref<2x128x128xf32, #tpu.memory_space<vmem>> -> memref<1x128x128xf32, #tpu.memory_space<vmem>>
      %dma_start3A_217 = tpu.memref_squeeze %dma_start3A_216 : memref<1x128x128xf32, #tpu.memory_space<vmem>> -> memref<128x128xf32, #tpu.memory_space<vmem>>
      tpu.enqueue_dma source(%dma_start3A_217 : memref<128x128xf32, #tpu.memory_space<vmem>>) target(%dma_start3A_213 : memref<128x128xf32, #tpu.memory_space<vmem_shared>>) target_semaphore(%run_scoped3A_205 : memref<!tpu.dma_semaphore, #tpu.memory_space<semaphore_mem>>)
      %dma_wait3A_218 = arith.constant 0 : i32
      %dma_wait3A_219 = arith.constant 0 : i32
      %dma_wait3A_220 = tpu.memref_slice %arg7[%run_scoped3A, %dma_wait3A_218, %dma_wait3A_219] : memref<2x128x128xf32, #tpu.memory_space<vmem>> -> memref<1x128x128xf32, #tpu.memory_space<vmem>>
      %dma_wait3A_221 = tpu.memref_squeeze %dma_wait3A_220 : memref<1x128x128xf32, #tpu.memory_space<vmem>> -> memref<128x128xf32, #tpu.memory_space<vmem>>
      %dma_wait3A_222 = arith.constant 0 : i32
      %dma_wait3A_223 = tpu.memref_slice %arg8[%add3A_11, %dma_wait3A_222] : memref<10240x128xf32, #tpu.memory_space<vmem_shared>> -> memref<128x128xf32, #tpu.memory_space<vmem_shared>>
      %dma_wait3A_224 = arith.constant 0 : i32
      %dma_wait3A_225 = tpu.memref_slice %arg8[%add3A_11, %dma_wait3A_224] : memref<10240x128xf32, #tpu.memory_space<vmem_shared>> -> memref<128x128xf32, #tpu.memory_space<vmem_shared>>
      %dma_wait3A_226 = arith.constant 0 : i32
      %dma_wait3A_227 = arith.constant 0 : i32
      %dma_wait3A_228 = tpu.memref_slice %arg7[%run_scoped3A, %dma_wait3A_226, %dma_wait3A_227] : memref<2x128x128xf32, #tpu.memory_space<vmem>> -> memref<1x128x128xf32, #tpu.memory_space<vmem>>
      %dma_wait3A_229 = tpu.memref_squeeze %dma_wait3A_228 : memref<1x128x128xf32, #tpu.memory_space<vmem>> -> memref<128x128xf32, #tpu.memory_space<vmem>>
      tpu.wait_dma2 semaphore(%run_scoped3A_205 : memref<!tpu.dma_semaphore, #tpu.memory_space<semaphore_mem>>) src(%dma_wait3A_229 : memref<128x128xf32, #tpu.memory_space<vmem>>) dst(%dma_wait3A_225 : memref<128x128xf32, #tpu.memory_space<vmem_shared>>)
      tpu.yield
    }) : () -> ()
    %add3A_12 = arith.constant 128 : i32
    %add3A_13 = arith.addi %mul3A_0, %add3A_12 : i32
    %run_scoped3A_14 = arith.constant 0 : i32
    "tpu.region"() ({
      %run_scoped3A_205 = tpu.sem_alloc : memref<!tpu.dma_semaphore, #tpu.memory_space<semaphore_mem>>
      %dma_start3A_206 = arith.constant 0 : i32
      %dma_start3A_207 = arith.constant 0 : i32
      %dma_start3A_208 = tpu.memref_slice %arg7[%run_scoped3A_14, %dma_start3A_206, %dma_start3A_207] : memref<2x128x128xf32, #tpu.memory_space<vmem>> -> memref<1x128x128xf32, #tpu.memory_space<vmem>>
      %dma_start3A_209 = tpu.memref_squeeze %dma_start3A_208 : memref<1x128x128xf32, #tpu.memory_space<vmem>> -> memref<128x128xf32, #tpu.memory_space<vmem>>
      %dma_start3A_210 = arith.constant 0 : i32
      %dma_start3A_211 = tpu.memref_slice %arg8[%add3A_13, %dma_start3A_210] : memref<10240x128xf32, #tpu.memory_space<vmem_shared>> -> memref<128x128xf32, #tpu.memory_space<vmem_shared>>
      %dma_start3A_212 = arith.constant 0 : i32
      %dma_start3A_213 = tpu.memref_slice %arg8[%add3A_13, %dma_start3A_212] : memref<10240x128xf32, #tpu.memory_space<vmem_shared>> -> memref<128x128xf32, #tpu.memory_space<vmem_shared>>
      %dma_start3A_214 = arith.constant 0 : i32
      %dma_start3A_215 = arith.constant 0 : i32
      %dma_start3A_216 = tpu.memref_slice %arg7[%run_scoped3A_14, %dma_start3A_214, %dma_start3A_215] : memref<2x128x128xf32, #tpu.memory_space<vmem>> -> memref<1x128x128xf32, #tpu.memory_space<vmem>>
      %dma_start3A_217 = tpu.memref_squeeze %dma_start3A_216 : memref<1x128x128xf32, #tpu.memory_space<vmem>> -> memref<128x128xf32, #tpu.memory_space<vmem>>
      tpu.enqueue_dma source(%dma_start3A_217 : memref<128x128xf32, #tpu.memory_space<vmem>>) target(%dma_start3A_213 : memref<128x128xf32, #tpu.memory_space<vmem_shared>>) target_semaphore(%run_scoped3A_205 : memref<!tpu.dma_semaphore, #tpu.memory_space<semaphore_mem>>)
      %dma_wait3A_218 = arith.constant 0 : i32
      %dma_wait3A_219 = arith.constant 0 : i32
      %dma_wait3A_220 = tpu.memref_slice %arg7[%run_scoped3A_14, %dma_wait3A_218, %dma_wait3A_219] : memref<2x128x128xf32, #tpu.memory_space<vmem>> -> memref<1x128x128xf32, #tpu.memory_space<vmem>>
      %dma_wait3A_221 = tpu.memref_squeeze %dma_wait3A_220 : memref<1x128x128xf32, #tpu.memory_space<vmem>> -> memref<128x128xf32, #tpu.memory_space<vmem>>
      %dma_wait3A_222 = arith.constant 0 : i32
      %dma_wait3A_223 = tpu.memref_slice %arg8[%add3A_13, %dma_wait3A_222] : memref<10240x128xf32, #tpu.memory_space<vmem_shared>> -> memref<128x128xf32, #tpu.memory_space<vmem_shared>>
      %dma_wait3A_224 = arith.constant 0 : i32
      %dma_wait3A_225 = tpu.memref_slice %arg8[%add3A_13, %dma_wait3A_224] : memref<10240x128xf32, #tpu.memory_space<vmem_shared>> -> memref<128x128xf32, #tpu.memory_space<vmem_shared>>
      %dma_wait3A_226 = arith.constant 0 : i32
      %dma_wait3A_227 = arith.constant 0 : i32
      %dma_wait3A_228 = tpu.memref_slice %arg7[%run_scoped3A_14, %dma_wait3A_226, %dma_wait3A_227] : memref<2x128x128xf32, #tpu.memory_space<vmem>> -> memref<1x128x128xf32, #tpu.memory_space<vmem>>
      %dma_wait3A_229 = tpu.memref_squeeze %dma_wait3A_228 : memref<1x128x128xf32, #tpu.memory_space<vmem>> -> memref<128x128xf32, #tpu.memory_space<vmem>>
      tpu.wait_dma2 semaphore(%run_scoped3A_205 : memref<!tpu.dma_semaphore, #tpu.memory_space<semaphore_mem>>) src(%dma_wait3A_229 : memref<128x128xf32, #tpu.memory_space<vmem>>) dst(%dma_wait3A_225 : memref<128x128xf32, #tpu.memory_space<vmem_shared>>)
      tpu.yield
    }) : () -> ()
    %add3A_15 = arith.constant 256 : i32
    %add3A_16 = arith.addi %mul3A_0, %add3A_15 : i32
    %run_scoped3A_17 = arith.constant 0 : i32
    "tpu.region"() ({
      %run_scoped3A_205 = tpu.sem_alloc : memref<!tpu.dma_semaphore, #tpu.memory_space<semaphore_mem>>
      %dma_start3A_206 = arith.constant 0 : i32
      %dma_start3A_207 = arith.constant 0 : i32
      %dma_start3A_208 = tpu.memref_slice %arg7[%run_scoped3A_17, %dma_start3A_206, %dma_start3A_207] : memref<2x128x128xf32, #tpu.memory_space<vmem>> -> memref<1x128x128xf32, #tpu.memory_space<vmem>>
      %dma_start3A_209 = tpu.memref_squeeze %dma_start3A_208 : memref<1x128x128xf32, #tpu.memory_space<vmem>> -> memref<128x128xf32, #tpu.memory_space<vmem>>
      %dma_start3A_210 = arith.constant 0 : i32
      %dma_start3A_211 = tpu.memref_slice %arg8[%add3A_16, %dma_start3A_210] : memref<10240x128xf32, #tpu.memory_space<vmem_shared>> -> memref<128x128xf32, #tpu.memory_space<vmem_shared>>
      %dma_start3A_212 = arith.constant 0 : i32
      %dma_start3A_213 = tpu.memref_slice %arg8[%add3A_16, %dma_start3A_212] : memref<10240x128xf32, #tpu.memory_space<vmem_shared>> -> memref<128x128xf32, #tpu.memory_space<vmem_shared>>
      %dma_start3A_214 = arith.constant 0 : i32
      %dma_start3A_215 = arith.constant 0 : i32
      %dma_start3A_216 = tpu.memref_slice %arg7[%run_scoped3A_17, %dma_start3A_214, %dma_start3A_215] : memref<2x128x128xf32, #tpu.memory_space<vmem>> -> memref<1x128x128xf32, #tpu.memory_space<vmem>>
      %dma_start3A_217 = tpu.memref_squeeze %dma_start3A_216 : memref<1x128x128xf32, #tpu.memory_space<vmem>> -> memref<128x128xf32, #tpu.memory_space<vmem>>
      tpu.enqueue_dma source(%dma_start3A_217 : memref<128x128xf32, #tpu.memory_space<vmem>>) target(%dma_start3A_213 : memref<128x128xf32, #tpu.memory_space<vmem_shared>>) target_semaphore(%run_scoped3A_205 : memref<!tpu.dma_semaphore, #tpu.memory_space<semaphore_mem>>)
      %dma_wait3A_218 = arith.constant 0 : i32
      %dma_wait3A_219 = arith.constant 0 : i32
      %dma_wait3A_220 = tpu.memref_slice %arg7[%run_scoped3A_17, %dma_wait3A_218, %dma_wait3A_219] : memref<2x128x128xf32, #tpu.memory_space<vmem>> -> memref<1x128x128xf32, #tpu.memory_space<vmem>>
      %dma_wait3A_221 = tpu.memref_squeeze %dma_wait3A_220 : memref<1x128x128xf32, #tpu.memory_space<vmem>> -> memref<128x128xf32, #tpu.memory_space<vmem>>
      %dma_wait3A_222 = arith.constant 0 : i32
      %dma_wait3A_223 = tpu.memref_slice %arg8[%add3A_16, %dma_wait3A_222] : memref<10240x128xf32, #tpu.memory_space<vmem_shared>> -> memref<128x128xf32, #tpu.memory_space<vmem_shared>>
      %dma_wait3A_224 = arith.constant 0 : i32
      %dma_wait3A_225 = tpu.memref_slice %arg8[%add3A_16, %dma_wait3A_224] : memref<10240x128xf32, #tpu.memory_space<vmem_shared>> -> memref<128x128xf32, #tpu.memory_space<vmem_shared>>
      %dma_wait3A_226 = arith.constant 0 : i32
      %dma_wait3A_227 = arith.constant 0 : i32
      %dma_wait3A_228 = tpu.memref_slice %arg7[%run_scoped3A_17, %dma_wait3A_226, %dma_wait3A_227] : memref<2x128x128xf32, #tpu.memory_space<vmem>> -> memref<1x128x128xf32, #tpu.memory_space<vmem>>
      %dma_wait3A_229 = tpu.memref_squeeze %dma_wait3A_228 : memref<1x128x128xf32, #tpu.memory_space<vmem>> -> memref<128x128xf32, #tpu.memory_space<vmem>>
      tpu.wait_dma2 semaphore(%run_scoped3A_205 : memref<!tpu.dma_semaphore, #tpu.memory_space<semaphore_mem>>) src(%dma_wait3A_229 : memref<128x128xf32, #tpu.memory_space<vmem>>) dst(%dma_wait3A_225 : memref<128x128xf32, #tpu.memory_space<vmem_shared>>)
      tpu.yield
    }) : () -> ()
    %add3A_18 = arith.constant 384 : i32
    %add3A_19 = arith.addi %mul3A_0, %add3A_18 : i32
    %run_scoped3A_20 = arith.constant 0 : i32
    "tpu.region"() ({
      %run_scoped3A_205 = tpu.sem_alloc : memref<!tpu.dma_semaphore, #tpu.memory_space<semaphore_mem>>
      %dma_start3A_206 = arith.constant 0 : i32
      %dma_start3A_207 = arith.constant 0 : i32
      %dma_start3A_208 = tpu.memref_slice %arg7[%run_scoped3A_20, %dma_start3A_206, %dma_start3A_207] : memref<2x128x128xf32, #tpu.memory_space<vmem>> -> memref<1x128x128xf32, #tpu.memory_space<vmem>>
      %dma_start3A_209 = tpu.memref_squeeze %dma_start3A_208 : memref<1x128x128xf32, #tpu.memory_space<vmem>> -> memref<128x128xf32, #tpu.memory_space<vmem>>
      %dma_start3A_210 = arith.constant 0 : i32
      %dma_start3A_211 = tpu.memref_slice %arg8[%add3A_19, %dma_start3A_210] : memref<10240x128xf32, #tpu.memory_space<vmem_shared>> -> memref<128x128xf32, #tpu.memory_space<vmem_shared>>
      %dma_start3A_212 = arith.constant 0 : i32
      %dma_start3A_213 = tpu.memref_slice %arg8[%add3A_19, %dma_start3A_212] : memref<10240x128xf32, #tpu.memory_space<vmem_shared>> -> memref<128x128xf32, #tpu.memory_space<vmem_shared>>
      %dma_start3A_214 = arith.constant 0 : i32
      %dma_start3A_215 = arith.constant 0 : i32
      %dma_start3A_216 = tpu.memref_slice %arg7[%run_scoped3A_20, %dma_start3A_214, %dma_start3A_215] : memref<2x128x128xf32, #tpu.memory_space<vmem>> -> memref<1x128x128xf32, #tpu.memory_space<vmem>>
      %dma_start3A_217 = tpu.memref_squeeze %dma_start3A_216 : memref<1x128x128xf32, #tpu.memory_space<vmem>> -> memref<128x128xf32, #tpu.memory_space<vmem>>
      tpu.enqueue_dma source(%dma_start3A_217 : memref<128x128xf32, #tpu.memory_space<vmem>>) target(%dma_start3A_213 : memref<128x128xf32, #tpu.memory_space<vmem_shared>>) target_semaphore(%run_scoped3A_205 : memref<!tpu.dma_semaphore, #tpu.memory_space<semaphore_mem>>)
      %dma_wait3A_218 = arith.constant 0 : i32
      %dma_wait3A_219 = arith.constant 0 : i32
      %dma_wait3A_220 = tpu.memref_slice %arg7[%run_scoped3A_20, %dma_wait3A_218, %dma_wait3A_219] : memref<2x128x128xf32, #tpu.memory_space<vmem>> -> memref<1x128x128xf32, #tpu.memory_space<vmem>>
      %dma_wait3A_221 = tpu.memref_squeeze %dma_wait3A_220 : memref<1x128x128xf32, #tpu.memory_space<vmem>> -> memref<128x128xf32, #tpu.memory_space<vmem>>
      %dma_wait3A_222 = arith.constant 0 : i32
      %dma_wait3A_223 = tpu.memref_slice %arg8[%add3A_19, %dma_wait3A_222] : memref<10240x128xf32, #tpu.memory_space<vmem_shared>> -> memref<128x128xf32, #tpu.memory_space<vmem_shared>>
      %dma_wait3A_224 = arith.constant 0 : i32
      %dma_wait3A_225 = tpu.memref_slice %arg8[%add3A_19, %dma_wait3A_224] : memref<10240x128xf32, #tpu.memory_space<vmem_shared>> -> memref<128x128xf32, #tpu.memory_space<vmem_shared>>
      %dma_wait3A_226 = arith.constant 0 : i32
      %dma_wait3A_227 = arith.constant 0 : i32
      %dma_wait3A_228 = tpu.memref_slice %arg7[%run_scoped3A_20, %dma_wait3A_226, %dma_wait3A_227] : memref<2x128x128xf32, #tpu.memory_space<vmem>> -> memref<1x128x128xf32, #tpu.memory_space<vmem>>
      %dma_wait3A_229 = tpu.memref_squeeze %dma_wait3A_228 : memref<1x128x128xf32, #tpu.memory_space<vmem>> -> memref<128x128xf32, #tpu.memory_space<vmem>>
      tpu.wait_dma2 semaphore(%run_scoped3A_205 : memref<!tpu.dma_semaphore, #tpu.memory_space<semaphore_mem>>) src(%dma_wait3A_229 : memref<128x128xf32, #tpu.memory_space<vmem>>) dst(%dma_wait3A_225 : memref<128x128xf32, #tpu.memory_space<vmem_shared>>)
      tpu.yield
    }) : () -> ()
    %add3A_21 = arith.constant 512 : i32
    %add3A_22 = arith.addi %mul3A_0, %add3A_21 : i32
    %run_scoped3A_23 = arith.constant 0 : i32
    "tpu.region"() ({
      %run_scoped3A_205 = tpu.sem_alloc : memref<!tpu.dma_semaphore, #tpu.memory_space<semaphore_mem>>
      %dma_start3A_206 = arith.constant 0 : i32
      %dma_start3A_207 = arith.constant 0 : i32
      %dma_start3A_208 = tpu.memref_slice %arg7[%run_scoped3A_23, %dma_start3A_206, %dma_start3A_207] : memref<2x128x128xf32, #tpu.memory_space<vmem>> -> memref<1x128x128xf32, #tpu.memory_space<vmem>>
      %dma_start3A_209 = tpu.memref_squeeze %dma_start3A_208 : memref<1x128x128xf32, #tpu.memory_space<vmem>> -> memref<128x128xf32, #tpu.memory_space<vmem>>
      %dma_start3A_210 = arith.constant 0 : i32
      %dma_start3A_211 = tpu.memref_slice %arg8[%add3A_22, %dma_start3A_210] : memref<10240x128xf32, #tpu.memory_space<vmem_shared>> -> memref<128x128xf32, #tpu.memory_space<vmem_shared>>
      %dma_start3A_212 = arith.constant 0 : i32
      %dma_start3A_213 = tpu.memref_slice %arg8[%add3A_22, %dma_start3A_212] : memref<10240x128xf32, #tpu.memory_space<vmem_shared>> -> memref<128x128xf32, #tpu.memory_space<vmem_shared>>
      %dma_start3A_214 = arith.constant 0 : i32
      %dma_start3A_215 = arith.constant 0 : i32
      %dma_start3A_216 = tpu.memref_slice %arg7[%run_scoped3A_23, %dma_start3A_214, %dma_start3A_215] : memref<2x128x128xf32, #tpu.memory_space<vmem>> -> memref<1x128x128xf32, #tpu.memory_space<vmem>>
      %dma_start3A_217 = tpu.memref_squeeze %dma_start3A_216 : memref<1x128x128xf32, #tpu.memory_space<vmem>> -> memref<128x128xf32, #tpu.memory_space<vmem>>
      tpu.enqueue_dma source(%dma_start3A_217 : memref<128x128xf32, #tpu.memory_space<vmem>>) target(%dma_start3A_213 : memref<128x128xf32, #tpu.memory_space<vmem_shared>>) target_semaphore(%run_scoped3A_205 : memref<!tpu.dma_semaphore, #tpu.memory_space<semaphore_mem>>)
      %dma_wait3A_218 = arith.constant 0 : i32
      %dma_wait3A_219 = arith.constant 0 : i32
      %dma_wait3A_220 = tpu.memref_slice %arg7[%run_scoped3A_23, %dma_wait3A_218, %dma_wait3A_219] : memref<2x128x128xf32, #tpu.memory_space<vmem>> -> memref<1x128x128xf32, #tpu.memory_space<vmem>>
      %dma_wait3A_221 = tpu.memref_squeeze %dma_wait3A_220 : memref<1x128x128xf32, #tpu.memory_space<vmem>> -> memref<128x128xf32, #tpu.memory_space<vmem>>
      %dma_wait3A_222 = arith.constant 0 : i32
      %dma_wait3A_223 = tpu.memref_slice %arg8[%add3A_22, %dma_wait3A_222] : memref<10240x128xf32, #tpu.memory_space<vmem_shared>> -> memref<128x128xf32, #tpu.memory_space<vmem_shared>>
      %dma_wait3A_224 = arith.constant 0 : i32
      %dma_wait3A_225 = tpu.memref_slice %arg8[%add3A_22, %dma_wait3A_224] : memref<10240x128xf32, #tpu.memory_space<vmem_shared>> -> memref<128x128xf32, #tpu.memory_space<vmem_shared>>
      %dma_wait3A_226 = arith.constant 0 : i32
      %dma_wait3A_227 = arith.constant 0 : i32
      %dma_wait3A_228 = tpu.memref_slice %arg7[%run_scoped3A_23, %dma_wait3A_226, %dma_wait3A_227] : memref<2x128x128xf32, #tpu.memory_space<vmem>> -> memref<1x128x128xf32, #tpu.memory_space<vmem>>
      %dma_wait3A_229 = tpu.memref_squeeze %dma_wait3A_228 : memref<1x128x128xf32, #tpu.memory_space<vmem>> -> memref<128x128xf32, #tpu.memory_space<vmem>>
      tpu.wait_dma2 semaphore(%run_scoped3A_205 : memref<!tpu.dma_semaphore, #tpu.memory_space<semaphore_mem>>) src(%dma_wait3A_229 : memref<128x128xf32, #tpu.memory_space<vmem>>) dst(%dma_wait3A_225 : memref<128x128xf32, #tpu.memory_space<vmem_shared>>)
      tpu.yield
    }) : () -> ()
    %barrier3A = arith.constant 0 : index
    tpu.barrier barrier_id(%barrier3A)
    %add3A_24 = arith.constant 0 : i32
    %add3A_25 = arith.addi %mul3A_4, %add3A_24 : i32
    %dma_start3A = arith.constant 0 : i32
    %dma_start3A_26 = arith.constant 0 : i32
    %dma_start3A_27 = arith.constant 0 : i32
    %dma_start3A_28 = arith.constant 0 : i32
    %dma_start3A_29 = tpu.memref_slice %arg6[%dma_start3A, %dma_start3A_26, %dma_start3A_27, %dma_start3A_28] : memref<4x2x1x128xi32, #tpu.memory_space<vmem>> -> memref<1x1x1x128xi32, #tpu.memory_space<vmem>>
    %dma_start3A_30 = tpu.memref_squeeze %dma_start3A_29 : memref<1x1x1x128xi32, #tpu.memory_space<vmem>> -> memref<1x128xi32, #tpu.memory_space<vmem>>
    %dma_start3A_31 = arith.constant 0 : i32
    %dma_start3A_32 = arith.constant 0 : i32
    %dma_start3A_33 = tpu.memref_slice %arg2[%add3A_25, %dma_start3A_31, %dma_start3A_32] : memref<2560x1x128xi32, #tpu.memory_space<hbm>> -> memref<1x1x128xi32, #tpu.memory_space<hbm>>
    %dma_start3A_34 = tpu.memref_squeeze %dma_start3A_33 : memref<1x1x128xi32, #tpu.memory_space<hbm>> -> memref<1x128xi32, #tpu.memory_space<hbm>>
    %dma_start3A_35 = arith.constant 0 : i32
    %dma_start3A_36 = arith.constant 0 : i32
    %dma_start3A_37 = tpu.memref_slice %arg6[%dma_start3A, %dma_start3A_26, %dma_start3A_35, %dma_start3A_36] : memref<4x2x1x128xi32, #tpu.memory_space<vmem>> -> memref<1x1x1x128xi32, #tpu.memory_space<vmem>>
    %dma_start3A_38 = tpu.memref_squeeze %dma_start3A_37 : memref<1x1x1x128xi32, #tpu.memory_space<vmem>> -> memref<1x128xi32, #tpu.memory_space<vmem>>
    %dma_start3A_39 = arith.constant 0 : i32
    %dma_start3A_40 = arith.constant 0 : i32
    %dma_start3A_41 = tpu.memref_slice %arg2[%add3A_25, %dma_start3A_39, %dma_start3A_40] : memref<2560x1x128xi32, #tpu.memory_space<hbm>> -> memref<1x1x128xi32, #tpu.memory_space<hbm>>
    %dma_start3A_42 = tpu.memref_squeeze %dma_start3A_41 : memref<1x1x128xi32, #tpu.memory_space<hbm>> -> memref<1x128xi32, #tpu.memory_space<hbm>>
    tpu.enqueue_dma source(%dma_start3A_42 : memref<1x128xi32, #tpu.memory_space<hbm>>) target(%dma_start3A_38 : memref<1x128xi32, #tpu.memory_space<vmem>>) target_semaphore(%arg9 : memref<!tpu.dma_semaphore, #tpu.memory_space<semaphore_mem>>)
    %add3A_43 = arith.constant 0 : i32
    %add3A_44 = arith.addi %mul3A_4, %add3A_43 : i32
    %dma_start3A_45 = arith.constant 0 : i32
    %dma_start3A_46 = arith.constant 1 : i32
    %dma_start3A_47 = arith.constant 0 : i32
    %dma_start3A_48 = arith.constant 0 : i32
    %dma_start3A_49 = tpu.memref_slice %arg6[%dma_start3A_45, %dma_start3A_46, %dma_start3A_47, %dma_start3A_48] : memref<4x2x1x128xi32, #tpu.memory_space<vmem>> -> memref<1x1x1x128xi32, #tpu.memory_space<vmem>>
    %dma_start3A_50 = tpu.memref_squeeze %dma_start3A_49 : memref<1x1x1x128xi32, #tpu.memory_space<vmem>> -> memref<1x128xi32, #tpu.memory_space<vmem>>
    %dma_start3A_51 = arith.constant 0 : i32
    %dma_start3A_52 = arith.constant 0 : i32
    %dma_start3A_53 = tpu.memref_slice %arg3[%add3A_44, %dma_start3A_51, %dma_start3A_52] : memref<2560x1x128xi32, #tpu.memory_space<hbm>> -> memref<1x1x128xi32, #tpu.memory_space<hbm>>
    %dma_start3A_54 = tpu.memref_squeeze %dma_start3A_53 : memref<1x1x128xi32, #tpu.memory_space<hbm>> -> memref<1x128xi32, #tpu.memory_space<hbm>>
    %dma_start3A_55 = arith.constant 0 : i32
    %dma_start3A_56 = arith.constant 0 : i32
    %dma_start3A_57 = tpu.memref_slice %arg6[%dma_start3A_45, %dma_start3A_46, %dma_start3A_55, %dma_start3A_56] : memref<4x2x1x128xi32, #tpu.memory_space<vmem>> -> memref<1x1x1x128xi32, #tpu.memory_space<vmem>>
    %dma_start3A_58 = tpu.memref_squeeze %dma_start3A_57 : memref<1x1x1x128xi32, #tpu.memory_space<vmem>> -> memref<1x128xi32, #tpu.memory_space<vmem>>
    %dma_start3A_59 = arith.constant 0 : i32
    %dma_start3A_60 = arith.constant 0 : i32
    %dma_start3A_61 = tpu.memref_slice %arg3[%add3A_44, %dma_start3A_59, %dma_start3A_60] : memref<2560x1x128xi32, #tpu.memory_space<hbm>> -> memref<1x1x128xi32, #tpu.memory_space<hbm>>
    %dma_start3A_62 = tpu.memref_squeeze %dma_start3A_61 : memref<1x1x128xi32, #tpu.memory_space<hbm>> -> memref<1x128xi32, #tpu.memory_space<hbm>>
    tpu.enqueue_dma source(%dma_start3A_62 : memref<1x128xi32, #tpu.memory_space<hbm>>) target(%dma_start3A_58 : memref<1x128xi32, #tpu.memory_space<vmem>>) target_semaphore(%arg9 : memref<!tpu.dma_semaphore, #tpu.memory_space<semaphore_mem>>)
    %add3A_63 = arith.constant 1 : i32
    %add3A_64 = arith.addi %mul3A_4, %add3A_63 : i32
    %dma_start3A_65 = arith.constant 1 : i32
    %dma_start3A_66 = arith.constant 0 : i32
    %dma_start3A_67 = arith.constant 0 : i32
    %dma_start3A_68 = arith.constant 0 : i32
    %dma_start3A_69 = tpu.memref_slice %arg6[%dma_start3A_65, %dma_start3A_66, %dma_start3A_67, %dma_start3A_68] : memref<4x2x1x128xi32, #tpu.memory_space<vmem>> -> memref<1x1x1x128xi32, #tpu.memory_space<vmem>>
    %dma_start3A_70 = tpu.memref_squeeze %dma_start3A_69 : memref<1x1x1x128xi32, #tpu.memory_space<vmem>> -> memref<1x128xi32, #tpu.memory_space<vmem>>
    %dma_start3A_71 = arith.constant 0 : i32
    %dma_start3A_72 = arith.constant 0 : i32
    %dma_start3A_73 = tpu.memref_slice %arg2[%add3A_64, %dma_start3A_71, %dma_start3A_72] : memref<2560x1x128xi32, #tpu.memory_space<hbm>> -> memref<1x1x128xi32, #tpu.memory_space<hbm>>
    %dma_start3A_74 = tpu.memref_squeeze %dma_start3A_73 : memref<1x1x128xi32, #tpu.memory_space<hbm>> -> memref<1x128xi32, #tpu.memory_space<hbm>>
    %dma_start3A_75 = arith.constant 0 : i32
    %dma_start3A_76 = arith.constant 0 : i32
    %dma_start3A_77 = tpu.memref_slice %arg6[%dma_start3A_65, %dma_start3A_66, %dma_start3A_75, %dma_start3A_76] : memref<4x2x1x128xi32, #tpu.memory_space<vmem>> -> memref<1x1x1x128xi32, #tpu.memory_space<vmem>>
    %dma_start3A_78 = tpu.memref_squeeze %dma_start3A_77 : memref<1x1x1x128xi32, #tpu.memory_space<vmem>> -> memref<1x128xi32, #tpu.memory_space<vmem>>
    %dma_start3A_79 = arith.constant 0 : i32
    %dma_start3A_80 = arith.constant 0 : i32
    %dma_start3A_81 = tpu.memref_slice %arg2[%add3A_64, %dma_start3A_79, %dma_start3A_80] : memref<2560x1x128xi32, #tpu.memory_space<hbm>> -> memref<1x1x128xi32, #tpu.memory_space<hbm>>
    %dma_start3A_82 = tpu.memref_squeeze %dma_start3A_81 : memref<1x1x128xi32, #tpu.memory_space<hbm>> -> memref<1x128xi32, #tpu.memory_space<hbm>>
    tpu.enqueue_dma source(%dma_start3A_82 : memref<1x128xi32, #tpu.memory_space<hbm>>) target(%dma_start3A_78 : memref<1x128xi32, #tpu.memory_space<vmem>>) target_semaphore(%arg9 : memref<!tpu.dma_semaphore, #tpu.memory_space<semaphore_mem>>)
    %add3A_83 = arith.constant 1 : i32
    %add3A_84 = arith.addi %mul3A_4, %add3A_83 : i32
    %dma_start3A_85 = arith.constant 1 : i32
    %dma_start3A_86 = arith.constant 1 : i32
    %dma_start3A_87 = arith.constant 0 : i32
    %dma_start3A_88 = arith.constant 0 : i32
    %dma_start3A_89 = tpu.memref_slice %arg6[%dma_start3A_85, %dma_start3A_86, %dma_start3A_87, %dma_start3A_88] : memref<4x2x1x128xi32, #tpu.memory_space<vmem>> -> memref<1x1x1x128xi32, #tpu.memory_space<vmem>>
    %dma_start3A_90 = tpu.memref_squeeze %dma_start3A_89 : memref<1x1x1x128xi32, #tpu.memory_space<vmem>> -> memref<1x128xi32, #tpu.memory_space<vmem>>
    %dma_start3A_91 = arith.constant 0 : i32
    %dma_start3A_92 = arith.constant 0 : i32
    %dma_start3A_93 = tpu.memref_slice %arg3[%add3A_84, %dma_start3A_91, %dma_start3A_92] : memref<2560x1x128xi32, #tpu.memory_space<hbm>> -> memref<1x1x128xi32, #tpu.memory_space<hbm>>
    %dma_start3A_94 = tpu.memref_squeeze %dma_start3A_93 : memref<1x1x128xi32, #tpu.memory_space<hbm>> -> memref<1x128xi32, #tpu.memory_space<hbm>>
    %dma_start3A_95 = arith.constant 0 : i32
    %dma_start3A_96 = arith.constant 0 : i32
    %dma_start3A_97 = tpu.memref_slice %arg6[%dma_start3A_85, %dma_start3A_86, %dma_start3A_95, %dma_start3A_96] : memref<4x2x1x128xi32, #tpu.memory_space<vmem>> -> memref<1x1x1x128xi32, #tpu.memory_space<vmem>>
    %dma_start3A_98 = tpu.memref_squeeze %dma_start3A_97 : memref<1x1x1x128xi32, #tpu.memory_space<vmem>> -> memref<1x128xi32, #tpu.memory_space<vmem>>
    %dma_start3A_99 = arith.constant 0 : i32
    %dma_start3A_100 = arith.constant 0 : i32
    %dma_start3A_101 = tpu.memref_slice %arg3[%add3A_84, %dma_start3A_99, %dma_start3A_100] : memref<2560x1x128xi32, #tpu.memory_space<hbm>> -> memref<1x1x128xi32, #tpu.memory_space<hbm>>
    %dma_start3A_102 = tpu.memref_squeeze %dma_start3A_101 : memref<1x1x128xi32, #tpu.memory_space<hbm>> -> memref<1x128xi32, #tpu.memory_space<hbm>>
    tpu.enqueue_dma source(%dma_start3A_102 : memref<1x128xi32, #tpu.memory_space<hbm>>) target(%dma_start3A_98 : memref<1x128xi32, #tpu.memory_space<vmem>>) target_semaphore(%arg9 : memref<!tpu.dma_semaphore, #tpu.memory_space<semaphore_mem>>)
    %add3A_103 = arith.constant 2 : i32
    %add3A_104 = arith.addi %mul3A_4, %add3A_103 : i32
    %dma_start3A_105 = arith.constant 2 : i32
    %dma_start3A_106 = arith.constant 0 : i32
    %dma_start3A_107 = arith.constant 0 : i32
    %dma_start3A_108 = arith.constant 0 : i32
    %dma_start3A_109 = tpu.memref_slice %arg6[%dma_start3A_105, %dma_start3A_106, %dma_start3A_107, %dma_start3A_108] : memref<4x2x1x128xi32, #tpu.memory_space<vmem>> -> memref<1x1x1x128xi32, #tpu.memory_space<vmem>>
    %dma_start3A_110 = tpu.memref_squeeze %dma_start3A_109 : memref<1x1x1x128xi32, #tpu.memory_space<vmem>> -> memref<1x128xi32, #tpu.memory_space<vmem>>
    %dma_start3A_111 = arith.constant 0 : i32
    %dma_start3A_112 = arith.constant 0 : i32
    %dma_start3A_113 = tpu.memref_slice %arg2[%add3A_104, %dma_start3A_111, %dma_start3A_112] : memref<2560x1x128xi32, #tpu.memory_space<hbm>> -> memref<1x1x128xi32, #tpu.memory_space<hbm>>
    %dma_start3A_114 = tpu.memref_squeeze %dma_start3A_113 : memref<1x1x128xi32, #tpu.memory_space<hbm>> -> memref<1x128xi32, #tpu.memory_space<hbm>>
    %dma_start3A_115 = arith.constant 0 : i32
    %dma_start3A_116 = arith.constant 0 : i32
    %dma_start3A_117 = tpu.memref_slice %arg6[%dma_start3A_105, %dma_start3A_106, %dma_start3A_115, %dma_start3A_116] : memref<4x2x1x128xi32, #tpu.memory_space<vmem>> -> memref<1x1x1x128xi32, #tpu.memory_space<vmem>>
    %dma_start3A_118 = tpu.memref_squeeze %dma_start3A_117 : memref<1x1x1x128xi32, #tpu.memory_space<vmem>> -> memref<1x128xi32, #tpu.memory_space<vmem>>
    %dma_start3A_119 = arith.constant 0 : i32
    %dma_start3A_120 = arith.constant 0 : i32
    %dma_start3A_121 = tpu.memref_slice %arg2[%add3A_104, %dma_start3A_119, %dma_start3A_120] : memref<2560x1x128xi32, #tpu.memory_space<hbm>> -> memref<1x1x128xi32, #tpu.memory_space<hbm>>
    %dma_start3A_122 = tpu.memref_squeeze %dma_start3A_121 : memref<1x1x128xi32, #tpu.memory_space<hbm>> -> memref<1x128xi32, #tpu.memory_space<hbm>>
    tpu.enqueue_dma source(%dma_start3A_122 : memref<1x128xi32, #tpu.memory_space<hbm>>) target(%dma_start3A_118 : memref<1x128xi32, #tpu.memory_space<vmem>>) target_semaphore(%arg9 : memref<!tpu.dma_semaphore, #tpu.memory_space<semaphore_mem>>)
    %add3A_123 = arith.constant 2 : i32
    %add3A_124 = arith.addi %mul3A_4, %add3A_123 : i32
    %dma_start3A_125 = arith.constant 2 : i32
    %dma_start3A_126 = arith.constant 1 : i32
    %dma_start3A_127 = arith.constant 0 : i32
    %dma_start3A_128 = arith.constant 0 : i32
    %dma_start3A_129 = tpu.memref_slice %arg6[%dma_start3A_125, %dma_start3A_126, %dma_start3A_127, %dma_start3A_128] : memref<4x2x1x128xi32, #tpu.memory_space<vmem>> -> memref<1x1x1x128xi32, #tpu.memory_space<vmem>>
    %dma_start3A_130 = tpu.memref_squeeze %dma_start3A_129 : memref<1x1x1x128xi32, #tpu.memory_space<vmem>> -> memref<1x128xi32, #tpu.memory_space<vmem>>
    %dma_start3A_131 = arith.constant 0 : i32
    %dma_start3A_132 = arith.constant 0 : i32
    %dma_start3A_133 = tpu.memref_slice %arg3[%add3A_124, %dma_start3A_131, %dma_start3A_132] : memref<2560x1x128xi32, #tpu.memory_space<hbm>> -> memref<1x1x128xi32, #tpu.memory_space<hbm>>
    %dma_start3A_134 = tpu.memref_squeeze %dma_start3A_133 : memref<1x1x128xi32, #tpu.memory_space<hbm>> -> memref<1x128xi32, #tpu.memory_space<hbm>>
    %dma_start3A_135 = arith.constant 0 : i32
    %dma_start3A_136 = arith.constant 0 : i32
    %dma_start3A_137 = tpu.memref_slice %arg6[%dma_start3A_125, %dma_start3A_126, %dma_start3A_135, %dma_start3A_136] : memref<4x2x1x128xi32, #tpu.memory_space<vmem>> -> memref<1x1x1x128xi32, #tpu.memory_space<vmem>>
    %dma_start3A_138 = tpu.memref_squeeze %dma_start3A_137 : memref<1x1x1x128xi32, #tpu.memory_space<vmem>> -> memref<1x128xi32, #tpu.memory_space<vmem>>
    %dma_start3A_139 = arith.constant 0 : i32
    %dma_start3A_140 = arith.constant 0 : i32
    %dma_start3A_141 = tpu.memref_slice %arg3[%add3A_124, %dma_start3A_139, %dma_start3A_140] : memref<2560x1x128xi32, #tpu.memory_space<hbm>> -> memref<1x1x128xi32, #tpu.memory_space<hbm>>
    %dma_start3A_142 = tpu.memref_squeeze %dma_start3A_141 : memref<1x1x128xi32, #tpu.memory_space<hbm>> -> memref<1x128xi32, #tpu.memory_space<hbm>>
    tpu.enqueue_dma source(%dma_start3A_142 : memref<1x128xi32, #tpu.memory_space<hbm>>) target(%dma_start3A_138 : memref<1x128xi32, #tpu.memory_space<vmem>>) target_semaphore(%arg9 : memref<!tpu.dma_semaphore, #tpu.memory_space<semaphore_mem>>)
    %add3A_143 = arith.constant 0 : i32
    %add3A_144 = arith.addi %mul3A_4, %add3A_143 : i32
    %dma_wait3A = arith.constant 0 : i32
    %dma_wait3A_145 = arith.constant 0 : i32
    %dma_wait3A_146 = arith.constant 0 : i32
    %dma_wait3A_147 = arith.constant 0 : i32
    %dma_wait3A_148 = tpu.memref_slice %arg6[%dma_wait3A, %dma_wait3A_145, %dma_wait3A_146, %dma_wait3A_147] : memref<4x2x1x128xi32, #tpu.memory_space<vmem>> -> memref<1x1x1x128xi32, #tpu.memory_space<vmem>>
    %dma_wait3A_149 = tpu.memref_squeeze %dma_wait3A_148 : memref<1x1x1x128xi32, #tpu.memory_space<vmem>> -> memref<1x128xi32, #tpu.memory_space<vmem>>
    %dma_wait3A_150 = arith.constant 0 : i32
    %dma_wait3A_151 = arith.constant 0 : i32
    %dma_wait3A_152 = tpu.memref_slice %arg2[%add3A_144, %dma_wait3A_150, %dma_wait3A_151] : memref<2560x1x128xi32, #tpu.memory_space<hbm>> -> memref<1x1x128xi32, #tpu.memory_space<hbm>>
    %dma_wait3A_153 = tpu.memref_squeeze %dma_wait3A_152 : memref<1x1x128xi32, #tpu.memory_space<hbm>> -> memref<1x128xi32, #tpu.memory_space<hbm>>
    %dma_wait3A_154 = arith.constant 0 : i32
    %dma_wait3A_155 = arith.constant 0 : i32
    %dma_wait3A_156 = tpu.memref_slice %arg6[%dma_wait3A, %dma_wait3A_145, %dma_wait3A_154, %dma_wait3A_155] : memref<4x2x1x128xi32, #tpu.memory_space<vmem>> -> memref<1x1x1x128xi32, #tpu.memory_space<vmem>>
    %dma_wait3A_157 = tpu.memref_squeeze %dma_wait3A_156 : memref<1x1x1x128xi32, #tpu.memory_space<vmem>> -> memref<1x128xi32, #tpu.memory_space<vmem>>
    %dma_wait3A_158 = arith.constant 0 : i32
    %dma_wait3A_159 = arith.constant 0 : i32
    %dma_wait3A_160 = tpu.memref_slice %arg2[%add3A_144, %dma_wait3A_158, %dma_wait3A_159] : memref<2560x1x128xi32, #tpu.memory_space<hbm>> -> memref<1x1x128xi32, #tpu.memory_space<hbm>>
    %dma_wait3A_161 = tpu.memref_squeeze %dma_wait3A_160 : memref<1x1x128xi32, #tpu.memory_space<hbm>> -> memref<1x128xi32, #tpu.memory_space<hbm>>
    tpu.wait_dma2 semaphore(%arg9 : memref<!tpu.dma_semaphore, #tpu.memory_space<semaphore_mem>>) src(%dma_wait3A_161 : memref<1x128xi32, #tpu.memory_space<hbm>>) dst(%dma_wait3A_157 : memref<1x128xi32, #tpu.memory_space<vmem>>)
    %add3A_162 = arith.constant 0 : i32
    %add3A_163 = arith.addi %mul3A_4, %add3A_162 : i32
    %dma_wait3A_164 = arith.constant 0 : i32
    %dma_wait3A_165 = arith.constant 1 : i32
    %dma_wait3A_166 = arith.constant 0 : i32
    %dma_wait3A_167 = arith.constant 0 : i32
    %dma_wait3A_168 = tpu.memref_slice %arg6[%dma_wait3A_164, %dma_wait3A_165, %dma_wait3A_166, %dma_wait3A_167] : memref<4x2x1x128xi32, #tpu.memory_space<vmem>> -> memref<1x1x1x128xi32, #tpu.memory_space<vmem>>
    %dma_wait3A_169 = tpu.memref_squeeze %dma_wait3A_168 : memref<1x1x1x128xi32, #tpu.memory_space<vmem>> -> memref<1x128xi32, #tpu.memory_space<vmem>>
    %dma_wait3A_170 = arith.constant 0 : i32
    %dma_wait3A_171 = arith.constant 0 : i32
    %dma_wait3A_172 = tpu.memref_slice %arg3[%add3A_163, %dma_wait3A_170, %dma_wait3A_171] : memref<2560x1x128xi32, #tpu.memory_space<hbm>> -> memref<1x1x128xi32, #tpu.memory_space<hbm>>
    %dma_wait3A_173 = tpu.memref_squeeze %dma_wait3A_172 : memref<1x1x128xi32, #tpu.memory_space<hbm>> -> memref<1x128xi32, #tpu.memory_space<hbm>>
    %dma_wait3A_174 = arith.constant 0 : i32
    %dma_wait3A_175 = arith.constant 0 : i32
    %dma_wait3A_176 = tpu.memref_slice %arg6[%dma_wait3A_164, %dma_wait3A_165, %dma_wait3A_174, %dma_wait3A_175] : memref<4x2x1x128xi32, #tpu.memory_space<vmem>> -> memref<1x1x1x128xi32, #tpu.memory_space<vmem>>
    %dma_wait3A_177 = tpu.memref_squeeze %dma_wait3A_176 : memref<1x1x1x128xi32, #tpu.memory_space<vmem>> -> memref<1x128xi32, #tpu.memory_space<vmem>>
    %dma_wait3A_178 = arith.constant 0 : i32
    %dma_wait3A_179 = arith.constant 0 : i32
    %dma_wait3A_180 = tpu.memref_slice %arg3[%add3A_163, %dma_wait3A_178, %dma_wait3A_179] : memref<2560x1x128xi32, #tpu.memory_space<hbm>> -> memref<1x1x128xi32, #tpu.memory_space<hbm>>
    %dma_wait3A_181 = tpu.memref_squeeze %dma_wait3A_180 : memref<1x1x128xi32, #tpu.memory_space<hbm>> -> memref<1x128xi32, #tpu.memory_space<hbm>>
    tpu.wait_dma2 semaphore(%arg9 : memref<!tpu.dma_semaphore, #tpu.memory_space<semaphore_mem>>) src(%dma_wait3A_181 : memref<1x128xi32, #tpu.memory_space<hbm>>) dst(%dma_wait3A_177 : memref<1x128xi32, #tpu.memory_space<vmem>>)
    %dma_start3A_182 = arith.constant 0 : i32
    %dma_start3A_183 = arith.constant 0 : i32
    %dma_start3A_184 = arith.constant 0 : i32
    %dma_start3A_185 = arith.constant 0 : i32
    %dma_start3A_186 = arith.constant 0 : i32
    %dma_start3A_187 = arith.constant 0 : i32
    %dma_start3A_188 = tpu.memref_slice %arg7[%dma_start3A_185, %dma_start3A_186, %dma_start3A_187] : memref<2x128x128xf32, #tpu.memory_space<vmem>> -> memref<1x128x128xf32, #tpu.memory_space<vmem>>
    %dma_start3A_189 = tpu.memref_squeeze %dma_start3A_188 : memref<1x128x128xf32, #tpu.memory_space<vmem>> -> memref<128x128xf32, #tpu.memory_space<vmem>>
    %dma_start3A_190 = arith.constant 0 : i32
    %dma_start3A_191 = tpu.memref_slice %arg6[%dma_start3A_182, %dma_start3A_183, %dma_start3A_184, %dma_start3A_190] : memref<4x2x1x128xi32, #tpu.memory_space<vmem>> -> memref<1x1x1x128xi32, #tpu.memory_space<vmem>>
    %dma_start3A_192 = tpu.memref_squeeze %dma_start3A_191 : memref<1x1x1x128xi32, #tpu.memory_space<vmem>> -> memref<128xi32, #tpu.memory_space<vmem>>
    %dma_start3A_193 = arith.constant 0 : i32
    %dma_start3A_194 = arith.constant 0 : i32
    %dma_start3A_195 = tpu.memref_slice %arg4[%dma_start3A_193, %dma_start3A_194] : memref<10240x128xf32, #tpu.memory_space<hbm>> -> memref<10240x128xf32, #tpu.memory_space<hbm>>
    tpu.enqueue_indirect_dma source(%dma_start3A_195 : memref<10240x128xf32, #tpu.memory_space<hbm>>) target(%dma_start3A_189 : memref<128x128xf32, #tpu.memory_space<vmem>>) offsets(%dma_start3A_192 : memref<128xi32, #tpu.memory_space<vmem>>) semaphore(%arg10 : memref<!tpu.dma_semaphore, #tpu.memory_space<semaphore_mem>>)
    %scan3A_196 = arith.constant 0 : i32
    %scan3A_197 = arith.constant 0 : i32
    %scan3A_198 = arith.constant 20 : i32
    %scan3A_199 = arith.addi %scan3A_197, %scan3A_198 : i32
    %scan3A_200 = arith.constant 1 : i32
    scf.for %scan3A_205 = %scan3A_197 to %scan3A_199 step %scan3A_200  : i32 {
      %mul3A_206 = arith.constant 4 : i32
      %mul3A_207 = arith.muli %scan3A_205, %mul3A_206 : i32
      %add3A_208 = arith.constant 0 : i32
      %add3A_209 = arith.addi %mul3A_207, %add3A_208 : i32
      %add3A_210 = arith.constant 1 : i32
      %add3A_211 = arith.addi %add3A_209, %add3A_210 : i32
      %lt3A = arith.constant 80 : i32
      %lt3A_212 = arith.cmpi slt, %add3A_211, %lt3A : i32
      %convert_element_type3A_213 = arith.extui %lt3A_212 : i1 to i32
      %cond3A_214 = arith.constant 0 : i32
      %cond3A_215 = arith.cmpi ne, %convert_element_type3A_213, %cond3A_214 : i32
      scf.if %cond3A_215 {
        %add3A_327 = arith.constant 1 : i32
        %add3A_328 = arith.addi %add3A_209, %add3A_327 : i32
        %add3A_329 = arith.addi %mul3A_4, %add3A_328 : i32
        %dma_wait3A_330 = arith.constant 1 : i32
        %dma_wait3A_331 = arith.constant 0 : i32
        %dma_wait3A_332 = arith.constant 0 : i32
        %dma_wait3A_333 = arith.constant 0 : i32
        %dma_wait3A_334 = tpu.memref_slice %arg6[%dma_wait3A_330, %dma_wait3A_331, %dma_wait3A_332, %dma_wait3A_333] : memref<4x2x1x128xi32, #tpu.memory_space<vmem>> -> memref<1x1x1x128xi32, #tpu.memory_space<vmem>>
        %dma_wait3A_335 = tpu.memref_squeeze %dma_wait3A_334 : memref<1x1x1x128xi32, #tpu.memory_space<vmem>> -> memref<1x128xi32, #tpu.memory_space<vmem>>
        %dma_wait3A_336 = arith.constant 0 : i32
        %dma_wait3A_337 = arith.constant 0 : i32
        %dma_wait3A_338 = tpu.memref_slice %arg2[%add3A_329, %dma_wait3A_336, %dma_wait3A_337] : memref<2560x1x128xi32, #tpu.memory_space<hbm>> -> memref<1x1x128xi32, #tpu.memory_space<hbm>>
        %dma_wait3A_339 = tpu.memref_squeeze %dma_wait3A_338 : memref<1x1x128xi32, #tpu.memory_space<hbm>> -> memref<1x128xi32, #tpu.memory_space<hbm>>
        %dma_wait3A_340 = arith.constant 0 : i32
        %dma_wait3A_341 = arith.constant 0 : i32
        %dma_wait3A_342 = tpu.memref_slice %arg6[%dma_wait3A_330, %dma_wait3A_331, %dma_wait3A_340, %dma_wait3A_341] : memref<4x2x1x128xi32, #tpu.memory_space<vmem>> -> memref<1x1x1x128xi32, #tpu.memory_space<vmem>>
        %dma_wait3A_343 = tpu.memref_squeeze %dma_wait3A_342 : memref<1x1x1x128xi32, #tpu.memory_space<vmem>> -> memref<1x128xi32, #tpu.memory_space<vmem>>
        %dma_wait3A_344 = arith.constant 0 : i32
        %dma_wait3A_345 = arith.constant 0 : i32
        %dma_wait3A_346 = tpu.memref_slice %arg2[%add3A_329, %dma_wait3A_344, %dma_wait3A_345] : memref<2560x1x128xi32, #tpu.memory_space<hbm>> -> memref<1x1x128xi32, #tpu.memory_space<hbm>>
        %dma_wait3A_347 = tpu.memref_squeeze %dma_wait3A_346 : memref<1x1x128xi32, #tpu.memory_space<hbm>> -> memref<1x128xi32, #tpu.memory_space<hbm>>
        tpu.wait_dma2 semaphore(%arg9 : memref<!tpu.dma_semaphore, #tpu.memory_space<semaphore_mem>>) src(%dma_wait3A_347 : memref<1x128xi32, #tpu.memory_space<hbm>>) dst(%dma_wait3A_343 : memref<1x128xi32, #tpu.memory_space<vmem>>)
        %add3A_348 = arith.addi %mul3A_4, %add3A_328 : i32
        %dma_wait3A_349 = arith.constant 1 : i32
        %dma_wait3A_350 = arith.constant 1 : i32
        %dma_wait3A_351 = arith.constant 0 : i32
        %dma_wait3A_352 = arith.constant 0 : i32
        %dma_wait3A_353 = tpu.memref_slice %arg6[%dma_wait3A_349, %dma_wait3A_350, %dma_wait3A_351, %dma_wait3A_352] : memref<4x2x1x128xi32, #tpu.memory_space<vmem>> -> memref<1x1x1x128xi32, #tpu.memory_space<vmem>>
        %dma_wait3A_354 = tpu.memref_squeeze %dma_wait3A_353 : memref<1x1x1x128xi32, #tpu.memory_space<vmem>> -> memref<1x128xi32, #tpu.memory_space<vmem>>
        %dma_wait3A_355 = arith.constant 0 : i32
        %dma_wait3A_356 = arith.constant 0 : i32
        %dma_wait3A_357 = tpu.memref_slice %arg3[%add3A_348, %dma_wait3A_355, %dma_wait3A_356] : memref<2560x1x128xi32, #tpu.memory_space<hbm>> -> memref<1x1x128xi32, #tpu.memory_space<hbm>>
        %dma_wait3A_358 = tpu.memref_squeeze %dma_wait3A_357 : memref<1x1x128xi32, #tpu.memory_space<hbm>> -> memref<1x128xi32, #tpu.memory_space<hbm>>
        %dma_wait3A_359 = arith.constant 0 : i32
        %dma_wait3A_360 = arith.constant 0 : i32
        %dma_wait3A_361 = tpu.memref_slice %arg6[%dma_wait3A_349, %dma_wait3A_350, %dma_wait3A_359, %dma_wait3A_360] : memref<4x2x1x128xi32, #tpu.memory_space<vmem>> -> memref<1x1x1x128xi32, #tpu.memory_space<vmem>>
        %dma_wait3A_362 = tpu.memref_squeeze %dma_wait3A_361 : memref<1x1x1x128xi32, #tpu.memory_space<vmem>> -> memref<1x128xi32, #tpu.memory_space<vmem>>
        %dma_wait3A_363 = arith.constant 0 : i32
        %dma_wait3A_364 = arith.constant 0 : i32
        %dma_wait3A_365 = tpu.memref_slice %arg3[%add3A_348, %dma_wait3A_363, %dma_wait3A_364] : memref<2560x1x128xi32, #tpu.memory_space<hbm>> -> memref<1x1x128xi32, #tpu.memory_space<hbm>>
        %dma_wait3A_366 = tpu.memref_squeeze %dma_wait3A_365 : memref<1x1x128xi32, #tpu.memory_space<hbm>> -> memref<1x128xi32, #tpu.memory_space<hbm>>
        tpu.wait_dma2 semaphore(%arg9 : memref<!tpu.dma_semaphore, #tpu.memory_space<semaphore_mem>>) src(%dma_wait3A_366 : memref<1x128xi32, #tpu.memory_space<hbm>>) dst(%dma_wait3A_362 : memref<1x128xi32, #tpu.memory_space<vmem>>)
        %add3A_367 = arith.constant 1 : i32
        %add3A_368 = arith.addi %add3A_209, %add3A_367 : i32
        %dma_start3A_369 = arith.constant 1 : i32
        %dma_start3A_370 = arith.constant 0 : i32
        %dma_start3A_371 = arith.constant 0 : i32
        %dma_start3A_372 = arith.constant 1 : i32
        %dma_start3A_373 = arith.constant 0 : i32
        %dma_start3A_374 = arith.constant 0 : i32
        %dma_start3A_375 = tpu.memref_slice %arg7[%dma_start3A_372, %dma_start3A_373, %dma_start3A_374] : memref<2x128x128xf32, #tpu.memory_space<vmem>> -> memref<1x128x128xf32, #tpu.memory_space<vmem>>
        %dma_start3A_376 = tpu.memref_squeeze %dma_start3A_375 : memref<1x128x128xf32, #tpu.memory_space<vmem>> -> memref<128x128xf32, #tpu.memory_space<vmem>>
        %dma_start3A_377 = arith.constant 0 : i32
        %dma_start3A_378 = tpu.memref_slice %arg6[%dma_start3A_369, %dma_start3A_370, %dma_start3A_371, %dma_start3A_377] : memref<4x2x1x128xi32, #tpu.memory_space<vmem>> -> memref<1x1x1x128xi32, #tpu.memory_space<vmem>>
        %dma_start3A_379 = tpu.memref_squeeze %dma_start3A_378 : memref<1x1x1x128xi32, #tpu.memory_space<vmem>> -> memref<128xi32, #tpu.memory_space<vmem>>
        %dma_start3A_380 = arith.constant 0 : i32
        %dma_start3A_381 = arith.constant 0 : i32
        %dma_start3A_382 = tpu.memref_slice %arg4[%dma_start3A_380, %dma_start3A_381] : memref<10240x128xf32, #tpu.memory_space<hbm>> -> memref<10240x128xf32, #tpu.memory_space<hbm>>
        tpu.enqueue_indirect_dma source(%dma_start3A_382 : memref<10240x128xf32, #tpu.memory_space<hbm>>) target(%dma_start3A_376 : memref<128x128xf32, #tpu.memory_space<vmem>>) offsets(%dma_start3A_379 : memref<128xi32, #tpu.memory_space<vmem>>) semaphore(%arg10 : memref<!tpu.dma_semaphore, #tpu.memory_space<semaphore_mem>>)
      } else {
      }
      %add3A_216 = arith.constant 3 : i32
      %add3A_217 = arith.addi %add3A_209, %add3A_216 : i32
      %lt3A_218 = arith.constant 80 : i32
      %lt3A_219 = arith.cmpi slt, %add3A_217, %lt3A_218 : i32
      %convert_element_type3A_220 = arith.extui %lt3A_219 : i1 to i32
      %cond3A_221 = arith.constant 0 : i32
      %cond3A_222 = arith.cmpi ne, %convert_element_type3A_220, %cond3A_221 : i32
      scf.if %cond3A_222 {
        %add3A_327 = arith.constant 3 : i32
        %add3A_328 = arith.addi %add3A_209, %add3A_327 : i32
        %add3A_329 = arith.addi %mul3A_4, %add3A_328 : i32
        %dma_start3A_330 = arith.constant 3 : i32
        %dma_start3A_331 = arith.constant 0 : i32
        %dma_start3A_332 = arith.constant 0 : i32
        %dma_start3A_333 = arith.constant 0 : i32
        %dma_start3A_334 = tpu.memref_slice %arg6[%dma_start3A_330, %dma_start3A_331, %dma_start3A_332, %dma_start3A_333] : memref<4x2x1x128xi32, #tpu.memory_space<vmem>> -> memref<1x1x1x128xi32, #tpu.memory_space<vmem>>
        %dma_start3A_335 = tpu.memref_squeeze %dma_start3A_334 : memref<1x1x1x128xi32, #tpu.memory_space<vmem>> -> memref<1x128xi32, #tpu.memory_space<vmem>>
        %dma_start3A_336 = arith.constant 0 : i32
        %dma_start3A_337 = arith.constant 0 : i32
        %dma_start3A_338 = tpu.memref_slice %arg2[%add3A_329, %dma_start3A_336, %dma_start3A_337] : memref<2560x1x128xi32, #tpu.memory_space<hbm>> -> memref<1x1x128xi32, #tpu.memory_space<hbm>>
        %dma_start3A_339 = tpu.memref_squeeze %dma_start3A_338 : memref<1x1x128xi32, #tpu.memory_space<hbm>> -> memref<1x128xi32, #tpu.memory_space<hbm>>
        %dma_start3A_340 = arith.constant 0 : i32
        %dma_start3A_341 = arith.constant 0 : i32
        %dma_start3A_342 = tpu.memref_slice %arg6[%dma_start3A_330, %dma_start3A_331, %dma_start3A_340, %dma_start3A_341] : memref<4x2x1x128xi32, #tpu.memory_space<vmem>> -> memref<1x1x1x128xi32, #tpu.memory_space<vmem>>
        %dma_start3A_343 = tpu.memref_squeeze %dma_start3A_342 : memref<1x1x1x128xi32, #tpu.memory_space<vmem>> -> memref<1x128xi32, #tpu.memory_space<vmem>>
        %dma_start3A_344 = arith.constant 0 : i32
        %dma_start3A_345 = arith.constant 0 : i32
        %dma_start3A_346 = tpu.memref_slice %arg2[%add3A_329, %dma_start3A_344, %dma_start3A_345] : memref<2560x1x128xi32, #tpu.memory_space<hbm>> -> memref<1x1x128xi32, #tpu.memory_space<hbm>>
        %dma_start3A_347 = tpu.memref_squeeze %dma_start3A_346 : memref<1x1x128xi32, #tpu.memory_space<hbm>> -> memref<1x128xi32, #tpu.memory_space<hbm>>
        tpu.enqueue_dma source(%dma_start3A_347 : memref<1x128xi32, #tpu.memory_space<hbm>>) target(%dma_start3A_343 : memref<1x128xi32, #tpu.memory_space<vmem>>) target_semaphore(%arg9 : memref<!tpu.dma_semaphore, #tpu.memory_space<semaphore_mem>>)
        %add3A_348 = arith.addi %mul3A_4, %add3A_328 : i32
        %dma_start3A_349 = arith.constant 3 : i32
        %dma_start3A_350 = arith.constant 1 : i32
        %dma_start3A_351 = arith.constant 0 : i32
        %dma_start3A_352 = arith.constant 0 : i32
        %dma_start3A_353 = tpu.memref_slice %arg6[%dma_start3A_349, %dma_start3A_350, %dma_start3A_351, %dma_start3A_352] : memref<4x2x1x128xi32, #tpu.memory_space<vmem>> -> memref<1x1x1x128xi32, #tpu.memory_space<vmem>>
        %dma_start3A_354 = tpu.memref_squeeze %dma_start3A_353 : memref<1x1x1x128xi32, #tpu.memory_space<vmem>> -> memref<1x128xi32, #tpu.memory_space<vmem>>
        %dma_start3A_355 = arith.constant 0 : i32
        %dma_start3A_356 = arith.constant 0 : i32
        %dma_start3A_357 = tpu.memref_slice %arg3[%add3A_348, %dma_start3A_355, %dma_start3A_356] : memref<2560x1x128xi32, #tpu.memory_space<hbm>> -> memref<1x1x128xi32, #tpu.memory_space<hbm>>
        %dma_start3A_358 = tpu.memref_squeeze %dma_start3A_357 : memref<1x1x128xi32, #tpu.memory_space<hbm>> -> memref<1x128xi32, #tpu.memory_space<hbm>>
        %dma_start3A_359 = arith.constant 0 : i32
        %dma_start3A_360 = arith.constant 0 : i32
        %dma_start3A_361 = tpu.memref_slice %arg6[%dma_start3A_349, %dma_start3A_350, %dma_start3A_359, %dma_start3A_360] : memref<4x2x1x128xi32, #tpu.memory_space<vmem>> -> memref<1x1x1x128xi32, #tpu.memory_space<vmem>>
        %dma_start3A_362 = tpu.memref_squeeze %dma_start3A_361 : memref<1x1x1x128xi32, #tpu.memory_space<vmem>> -> memref<1x128xi32, #tpu.memory_space<vmem>>
        %dma_start3A_363 = arith.constant 0 : i32
        %dma_start3A_364 = arith.constant 0 : i32
        %dma_start3A_365 = tpu.memref_slice %arg3[%add3A_348, %dma_start3A_363, %dma_start3A_364] : memref<2560x1x128xi32, #tpu.memory_space<hbm>> -> memref<1x1x128xi32, #tpu.memory_space<hbm>>
        %dma_start3A_366 = tpu.memref_squeeze %dma_start3A_365 : memref<1x1x128xi32, #tpu.memory_space<hbm>> -> memref<1x128xi32, #tpu.memory_space<hbm>>
        tpu.enqueue_dma source(%dma_start3A_366 : memref<1x128xi32, #tpu.memory_space<hbm>>) target(%dma_start3A_362 : memref<1x128xi32, #tpu.memory_space<vmem>>) target_semaphore(%arg9 : memref<!tpu.dma_semaphore, #tpu.memory_space<semaphore_mem>>)
      } else {
      }
      %dma_wait3A_223 = arith.constant 0 : i32
      %dma_wait3A_224 = arith.constant 0 : i32
      %dma_wait3A_225 = arith.constant 0 : i32
      %dma_wait3A_226 = arith.constant 0 : i32
      %dma_wait3A_227 = arith.constant 0 : i32
      %dma_wait3A_228 = arith.constant 0 : i32
      %dma_wait3A_229 = tpu.memref_slice %arg7[%dma_wait3A_226, %dma_wait3A_227, %dma_wait3A_228] : memref<2x128x128xf32, #tpu.memory_space<vmem>> -> memref<1x128x128xf32, #tpu.memory_space<vmem>>
      %dma_wait3A_230 = tpu.memref_squeeze %dma_wait3A_229 : memref<1x128x128xf32, #tpu.memory_space<vmem>> -> memref<128x128xf32, #tpu.memory_space<vmem>>
      %dma_wait3A_231 = arith.constant 0 : i32
      %dma_wait3A_232 = tpu.memref_slice %arg6[%dma_wait3A_223, %dma_wait3A_224, %dma_wait3A_225, %dma_wait3A_231] : memref<4x2x1x128xi32, #tpu.memory_space<vmem>> -> memref<1x1x1x128xi32, #tpu.memory_space<vmem>>
      %dma_wait3A_233 = tpu.memref_squeeze %dma_wait3A_232 : memref<1x1x1x128xi32, #tpu.memory_space<vmem>> -> memref<128xi32, #tpu.memory_space<vmem>>
      %dma_wait3A_234 = arith.constant 0 : i32
      %dma_wait3A_235 = arith.constant 0 : i32
      %dma_wait3A_236 = tpu.memref_slice %arg4[%dma_wait3A_234, %dma_wait3A_235] : memref<10240x128xf32, #tpu.memory_space<hbm>> -> memref<10240x128xf32, #tpu.memory_space<hbm>>
      tpu.wait_indirect_dma semaphore(%arg10 : memref<!tpu.dma_semaphore, #tpu.memory_space<semaphore_mem>>) src(%dma_wait3A_236 : memref<10240x128xf32, #tpu.memory_space<hbm>>) dst(%dma_wait3A_230 : memref<128x128xf32, #tpu.memory_space<vmem>>)
      %add3A_237 = arith.constant 1 : i32
      %add3A_238 = arith.addi %mul3A_207, %add3A_237 : i32
      %add3A_239 = arith.constant 1 : i32
      %add3A_240 = arith.addi %add3A_238, %add3A_239 : i32
      %lt3A_241 = arith.constant 80 : i32
      %lt3A_242 = arith.cmpi slt, %add3A_240, %lt3A_241 : i32
      %convert_element_type3A_243 = arith.extui %lt3A_242 : i1 to i32
      %cond3A_244 = arith.constant 0 : i32
      %cond3A_245 = arith.cmpi ne, %convert_element_type3A_243, %cond3A_244 : i32
      scf.if %cond3A_245 {
        %add3A_327 = arith.constant 1 : i32
        %add3A_328 = arith.addi %add3A_238, %add3A_327 : i32
        %add3A_329 = arith.addi %mul3A_4, %add3A_328 : i32
        %dma_wait3A_330 = arith.constant 2 : i32
        %dma_wait3A_331 = arith.constant 0 : i32
        %dma_wait3A_332 = arith.constant 0 : i32
        %dma_wait3A_333 = arith.constant 0 : i32
        %dma_wait3A_334 = tpu.memref_slice %arg6[%dma_wait3A_330, %dma_wait3A_331, %dma_wait3A_332, %dma_wait3A_333] : memref<4x2x1x128xi32, #tpu.memory_space<vmem>> -> memref<1x1x1x128xi32, #tpu.memory_space<vmem>>
        %dma_wait3A_335 = tpu.memref_squeeze %dma_wait3A_334 : memref<1x1x1x128xi32, #tpu.memory_space<vmem>> -> memref<1x128xi32, #tpu.memory_space<vmem>>
        %dma_wait3A_336 = arith.constant 0 : i32
        %dma_wait3A_337 = arith.constant 0 : i32
        %dma_wait3A_338 = tpu.memref_slice %arg2[%add3A_329, %dma_wait3A_336, %dma_wait3A_337] : memref<2560x1x128xi32, #tpu.memory_space<hbm>> -> memref<1x1x128xi32, #tpu.memory_space<hbm>>
        %dma_wait3A_339 = tpu.memref_squeeze %dma_wait3A_338 : memref<1x1x128xi32, #tpu.memory_space<hbm>> -> memref<1x128xi32, #tpu.memory_space<hbm>>
        %dma_wait3A_340 = arith.constant 0 : i32
        %dma_wait3A_341 = arith.constant 0 : i32
        %dma_wait3A_342 = tpu.memref_slice %arg6[%dma_wait3A_330, %dma_wait3A_331, %dma_wait3A_340, %dma_wait3A_341] : memref<4x2x1x128xi32, #tpu.memory_space<vmem>> -> memref<1x1x1x128xi32, #tpu.memory_space<vmem>>
        %dma_wait3A_343 = tpu.memref_squeeze %dma_wait3A_342 : memref<1x1x1x128xi32, #tpu.memory_space<vmem>> -> memref<1x128xi32, #tpu.memory_space<vmem>>
        %dma_wait3A_344 = arith.constant 0 : i32
        %dma_wait3A_345 = arith.constant 0 : i32
        %dma_wait3A_346 = tpu.memref_slice %arg2[%add3A_329, %dma_wait3A_344, %dma_wait3A_345] : memref<2560x1x128xi32, #tpu.memory_space<hbm>> -> memref<1x1x128xi32, #tpu.memory_space<hbm>>
        %dma_wait3A_347 = tpu.memref_squeeze %dma_wait3A_346 : memref<1x1x128xi32, #tpu.memory_space<hbm>> -> memref<1x128xi32, #tpu.memory_space<hbm>>
        tpu.wait_dma2 semaphore(%arg9 : memref<!tpu.dma_semaphore, #tpu.memory_space<semaphore_mem>>) src(%dma_wait3A_347 : memref<1x128xi32, #tpu.memory_space<hbm>>) dst(%dma_wait3A_343 : memref<1x128xi32, #tpu.memory_space<vmem>>)
        %add3A_348 = arith.addi %mul3A_4, %add3A_328 : i32
        %dma_wait3A_349 = arith.constant 2 : i32
        %dma_wait3A_350 = arith.constant 1 : i32
        %dma_wait3A_351 = arith.constant 0 : i32
        %dma_wait3A_352 = arith.constant 0 : i32
        %dma_wait3A_353 = tpu.memref_slice %arg6[%dma_wait3A_349, %dma_wait3A_350, %dma_wait3A_351, %dma_wait3A_352] : memref<4x2x1x128xi32, #tpu.memory_space<vmem>> -> memref<1x1x1x128xi32, #tpu.memory_space<vmem>>
        %dma_wait3A_354 = tpu.memref_squeeze %dma_wait3A_353 : memref<1x1x1x128xi32, #tpu.memory_space<vmem>> -> memref<1x128xi32, #tpu.memory_space<vmem>>
        %dma_wait3A_355 = arith.constant 0 : i32
        %dma_wait3A_356 = arith.constant 0 : i32
        %dma_wait3A_357 = tpu.memref_slice %arg3[%add3A_348, %dma_wait3A_355, %dma_wait3A_356] : memref<2560x1x128xi32, #tpu.memory_space<hbm>> -> memref<1x1x128xi32, #tpu.memory_space<hbm>>
        %dma_wait3A_358 = tpu.memref_squeeze %dma_wait3A_357 : memref<1x1x128xi32, #tpu.memory_space<hbm>> -> memref<1x128xi32, #tpu.memory_space<hbm>>
        %dma_wait3A_359 = arith.constant 0 : i32
        %dma_wait3A_360 = arith.constant 0 : i32
        %dma_wait3A_361 = tpu.memref_slice %arg6[%dma_wait3A_349, %dma_wait3A_350, %dma_wait3A_359, %dma_wait3A_360] : memref<4x2x1x128xi32, #tpu.memory_space<vmem>> -> memref<1x1x1x128xi32, #tpu.memory_space<vmem>>
        %dma_wait3A_362 = tpu.memref_squeeze %dma_wait3A_361 : memref<1x1x1x128xi32, #tpu.memory_space<vmem>> -> memref<1x128xi32, #tpu.memory_space<vmem>>
        %dma_wait3A_363 = arith.constant 0 : i32
        %dma_wait3A_364 = arith.constant 0 : i32
        %dma_wait3A_365 = tpu.memref_slice %arg3[%add3A_348, %dma_wait3A_363, %dma_wait3A_364] : memref<2560x1x128xi32, #tpu.memory_space<hbm>> -> memref<1x1x128xi32, #tpu.memory_space<hbm>>
        %dma_wait3A_366 = tpu.memref_squeeze %dma_wait3A_365 : memref<1x1x128xi32, #tpu.memory_space<hbm>> -> memref<1x128xi32, #tpu.memory_space<hbm>>
        tpu.wait_dma2 semaphore(%arg9 : memref<!tpu.dma_semaphore, #tpu.memory_space<semaphore_mem>>) src(%dma_wait3A_366 : memref<1x128xi32, #tpu.memory_space<hbm>>) dst(%dma_wait3A_362 : memref<1x128xi32, #tpu.memory_space<vmem>>)
        %add3A_367 = arith.constant 1 : i32
        %add3A_368 = arith.addi %add3A_238, %add3A_367 : i32
        %dma_start3A_369 = arith.constant 2 : i32
        %dma_start3A_370 = arith.constant 0 : i32
        %dma_start3A_371 = arith.constant 0 : i32
        %dma_start3A_372 = arith.constant 0 : i32
        %dma_start3A_373 = arith.constant 0 : i32
        %dma_start3A_374 = arith.constant 0 : i32
        %dma_start3A_375 = tpu.memref_slice %arg7[%dma_start3A_372, %dma_start3A_373, %dma_start3A_374] : memref<2x128x128xf32, #tpu.memory_space<vmem>> -> memref<1x128x128xf32, #tpu.memory_space<vmem>>
        %dma_start3A_376 = tpu.memref_squeeze %dma_start3A_375 : memref<1x128x128xf32, #tpu.memory_space<vmem>> -> memref<128x128xf32, #tpu.memory_space<vmem>>
        %dma_start3A_377 = arith.constant 0 : i32
        %dma_start3A_378 = tpu.memref_slice %arg6[%dma_start3A_369, %dma_start3A_370, %dma_start3A_371, %dma_start3A_377] : memref<4x2x1x128xi32, #tpu.memory_space<vmem>> -> memref<1x1x1x128xi32, #tpu.memory_space<vmem>>
        %dma_start3A_379 = tpu.memref_squeeze %dma_start3A_378 : memref<1x1x1x128xi32, #tpu.memory_space<vmem>> -> memref<128xi32, #tpu.memory_space<vmem>>
        %dma_start3A_380 = arith.constant 0 : i32
        %dma_start3A_381 = arith.constant 0 : i32
        %dma_start3A_382 = tpu.memref_slice %arg4[%dma_start3A_380, %dma_start3A_381] : memref<10240x128xf32, #tpu.memory_space<hbm>> -> memref<10240x128xf32, #tpu.memory_space<hbm>>
        tpu.enqueue_indirect_dma source(%dma_start3A_382 : memref<10240x128xf32, #tpu.memory_space<hbm>>) target(%dma_start3A_376 : memref<128x128xf32, #tpu.memory_space<vmem>>) offsets(%dma_start3A_379 : memref<128xi32, #tpu.memory_space<vmem>>) semaphore(%arg10 : memref<!tpu.dma_semaphore, #tpu.memory_space<semaphore_mem>>)
      } else {
      }
      %add3A_246 = arith.constant 3 : i32
      %add3A_247 = arith.addi %add3A_238, %add3A_246 : i32
      %lt3A_248 = arith.constant 80 : i32
      %lt3A_249 = arith.cmpi slt, %add3A_247, %lt3A_248 : i32
      %convert_element_type3A_250 = arith.extui %lt3A_249 : i1 to i32
      %cond3A_251 = arith.constant 0 : i32
      %cond3A_252 = arith.cmpi ne, %convert_element_type3A_250, %cond3A_251 : i32
      scf.if %cond3A_252 {
        %add3A_327 = arith.constant 3 : i32
        %add3A_328 = arith.addi %add3A_238, %add3A_327 : i32
        %add3A_329 = arith.addi %mul3A_4, %add3A_328 : i32
        %dma_start3A_330 = arith.constant 0 : i32
        %dma_start3A_331 = arith.constant 0 : i32
        %dma_start3A_332 = arith.constant 0 : i32
        %dma_start3A_333 = arith.constant 0 : i32
        %dma_start3A_334 = tpu.memref_slice %arg6[%dma_start3A_330, %dma_start3A_331, %dma_start3A_332, %dma_start3A_333] : memref<4x2x1x128xi32, #tpu.memory_space<vmem>> -> memref<1x1x1x128xi32, #tpu.memory_space<vmem>>
        %dma_start3A_335 = tpu.memref_squeeze %dma_start3A_334 : memref<1x1x1x128xi32, #tpu.memory_space<vmem>> -> memref<1x128xi32, #tpu.memory_space<vmem>>
        %dma_start3A_336 = arith.constant 0 : i32
        %dma_start3A_337 = arith.constant 0 : i32
        %dma_start3A_338 = tpu.memref_slice %arg2[%add3A_329, %dma_start3A_336, %dma_start3A_337] : memref<2560x1x128xi32, #tpu.memory_space<hbm>> -> memref<1x1x128xi32, #tpu.memory_space<hbm>>
        %dma_start3A_339 = tpu.memref_squeeze %dma_start3A_338 : memref<1x1x128xi32, #tpu.memory_space<hbm>> -> memref<1x128xi32, #tpu.memory_space<hbm>>
        %dma_start3A_340 = arith.constant 0 : i32
        %dma_start3A_341 = arith.constant 0 : i32
        %dma_start3A_342 = tpu.memref_slice %arg6[%dma_start3A_330, %dma_start3A_331, %dma_start3A_340, %dma_start3A_341] : memref<4x2x1x128xi32, #tpu.memory_space<vmem>> -> memref<1x1x1x128xi32, #tpu.memory_space<vmem>>
        %dma_start3A_343 = tpu.memref_squeeze %dma_start3A_342 : memref<1x1x1x128xi32, #tpu.memory_space<vmem>> -> memref<1x128xi32, #tpu.memory_space<vmem>>
        %dma_start3A_344 = arith.constant 0 : i32
        %dma_start3A_345 = arith.constant 0 : i32
        %dma_start3A_346 = tpu.memref_slice %arg2[%add3A_329, %dma_start3A_344, %dma_start3A_345] : memref<2560x1x128xi32, #tpu.memory_space<hbm>> -> memref<1x1x128xi32, #tpu.memory_space<hbm>>
        %dma_start3A_347 = tpu.memref_squeeze %dma_start3A_346 : memref<1x1x128xi32, #tpu.memory_space<hbm>> -> memref<1x128xi32, #tpu.memory_space<hbm>>
        tpu.enqueue_dma source(%dma_start3A_347 : memref<1x128xi32, #tpu.memory_space<hbm>>) target(%dma_start3A_343 : memref<1x128xi32, #tpu.memory_space<vmem>>) target_semaphore(%arg9 : memref<!tpu.dma_semaphore, #tpu.memory_space<semaphore_mem>>)
        %add3A_348 = arith.addi %mul3A_4, %add3A_328 : i32
        %dma_start3A_349 = arith.constant 0 : i32
        %dma_start3A_350 = arith.constant 1 : i32
        %dma_start3A_351 = arith.constant 0 : i32
        %dma_start3A_352 = arith.constant 0 : i32
        %dma_start3A_353 = tpu.memref_slice %arg6[%dma_start3A_349, %dma_start3A_350, %dma_start3A_351, %dma_start3A_352] : memref<4x2x1x128xi32, #tpu.memory_space<vmem>> -> memref<1x1x1x128xi32, #tpu.memory_space<vmem>>
        %dma_start3A_354 = tpu.memref_squeeze %dma_start3A_353 : memref<1x1x1x128xi32, #tpu.memory_space<vmem>> -> memref<1x128xi32, #tpu.memory_space<vmem>>
        %dma_start3A_355 = arith.constant 0 : i32
        %dma_start3A_356 = arith.constant 0 : i32
        %dma_start3A_357 = tpu.memref_slice %arg3[%add3A_348, %dma_start3A_355, %dma_start3A_356] : memref<2560x1x128xi32, #tpu.memory_space<hbm>> -> memref<1x1x128xi32, #tpu.memory_space<hbm>>
        %dma_start3A_358 = tpu.memref_squeeze %dma_start3A_357 : memref<1x1x128xi32, #tpu.memory_space<hbm>> -> memref<1x128xi32, #tpu.memory_space<hbm>>
        %dma_start3A_359 = arith.constant 0 : i32
        %dma_start3A_360 = arith.constant 0 : i32
        %dma_start3A_361 = tpu.memref_slice %arg6[%dma_start3A_349, %dma_start3A_350, %dma_start3A_359, %dma_start3A_360] : memref<4x2x1x128xi32, #tpu.memory_space<vmem>> -> memref<1x1x1x128xi32, #tpu.memory_space<vmem>>
        %dma_start3A_362 = tpu.memref_squeeze %dma_start3A_361 : memref<1x1x1x128xi32, #tpu.memory_space<vmem>> -> memref<1x128xi32, #tpu.memory_space<vmem>>
        %dma_start3A_363 = arith.constant 0 : i32
        %dma_start3A_364 = arith.constant 0 : i32
        %dma_start3A_365 = tpu.memref_slice %arg3[%add3A_348, %dma_start3A_363, %dma_start3A_364] : memref<2560x1x128xi32, #tpu.memory_space<hbm>> -> memref<1x1x128xi32, #tpu.memory_space<hbm>>
        %dma_start3A_366 = tpu.memref_squeeze %dma_start3A_365 : memref<1x1x128xi32, #tpu.memory_space<hbm>> -> memref<1x128xi32, #tpu.memory_space<hbm>>
        tpu.enqueue_dma source(%dma_start3A_366 : memref<1x128xi32, #tpu.memory_space<hbm>>) target(%dma_start3A_362 : memref<1x128xi32, #tpu.memory_space<vmem>>) target_semaphore(%arg9 : memref<!tpu.dma_semaphore, #tpu.memory_space<semaphore_mem>>)
      } else {
      }
      %dma_wait3A_253 = arith.constant 1 : i32
      %dma_wait3A_254 = arith.constant 0 : i32
      %dma_wait3A_255 = arith.constant 0 : i32
      %dma_wait3A_256 = arith.constant 1 : i32
      %dma_wait3A_257 = arith.constant 0 : i32
      %dma_wait3A_258 = arith.constant 0 : i32
      %dma_wait3A_259 = tpu.memref_slice %arg7[%dma_wait3A_256, %dma_wait3A_257, %dma_wait3A_258] : memref<2x128x128xf32, #tpu.memory_space<vmem>> -> memref<1x128x128xf32, #tpu.memory_space<vmem>>
      %dma_wait3A_260 = tpu.memref_squeeze %dma_wait3A_259 : memref<1x128x128xf32, #tpu.memory_space<vmem>> -> memref<128x128xf32, #tpu.memory_space<vmem>>
      %dma_wait3A_261 = arith.constant 0 : i32
      %dma_wait3A_262 = tpu.memref_slice %arg6[%dma_wait3A_253, %dma_wait3A_254, %dma_wait3A_255, %dma_wait3A_261] : memref<4x2x1x128xi32, #tpu.memory_space<vmem>> -> memref<1x1x1x128xi32, #tpu.memory_space<vmem>>
      %dma_wait3A_263 = tpu.memref_squeeze %dma_wait3A_262 : memref<1x1x1x128xi32, #tpu.memory_space<vmem>> -> memref<128xi32, #tpu.memory_space<vmem>>
      %dma_wait3A_264 = arith.constant 0 : i32
      %dma_wait3A_265 = arith.constant 0 : i32
      %dma_wait3A_266 = tpu.memref_slice %arg4[%dma_wait3A_264, %dma_wait3A_265] : memref<10240x128xf32, #tpu.memory_space<hbm>> -> memref<10240x128xf32, #tpu.memory_space<hbm>>
      tpu.wait_indirect_dma semaphore(%arg10 : memref<!tpu.dma_semaphore, #tpu.memory_space<semaphore_mem>>) src(%dma_wait3A_266 : memref<10240x128xf32, #tpu.memory_space<hbm>>) dst(%dma_wait3A_260 : memref<128x128xf32, #tpu.memory_space<vmem>>)
      %add3A_267 = arith.constant 2 : i32
      %add3A_268 = arith.addi %mul3A_207, %add3A_267 : i32
      %add3A_269 = arith.constant 1 : i32
      %add3A_270 = arith.addi %add3A_268, %add3A_269 : i32
      %lt3A_271 = arith.constant 80 : i32
      %lt3A_272 = arith.cmpi slt, %add3A_270, %lt3A_271 : i32
      %convert_element_type3A_273 = arith.extui %lt3A_272 : i1 to i32
      %cond3A_274 = arith.constant 0 : i32
      %cond3A_275 = arith.cmpi ne, %convert_element_type3A_273, %cond3A_274 : i32
      scf.if %cond3A_275 {
        %add3A_327 = arith.constant 1 : i32
        %add3A_328 = arith.addi %add3A_268, %add3A_327 : i32
        %add3A_329 = arith.addi %mul3A_4, %add3A_328 : i32
        %dma_wait3A_330 = arith.constant 3 : i32
        %dma_wait3A_331 = arith.constant 0 : i32
        %dma_wait3A_332 = arith.constant 0 : i32
        %dma_wait3A_333 = arith.constant 0 : i32
        %dma_wait3A_334 = tpu.memref_slice %arg6[%dma_wait3A_330, %dma_wait3A_331, %dma_wait3A_332, %dma_wait3A_333] : memref<4x2x1x128xi32, #tpu.memory_space<vmem>> -> memref<1x1x1x128xi32, #tpu.memory_space<vmem>>
        %dma_wait3A_335 = tpu.memref_squeeze %dma_wait3A_334 : memref<1x1x1x128xi32, #tpu.memory_space<vmem>> -> memref<1x128xi32, #tpu.memory_space<vmem>>
        %dma_wait3A_336 = arith.constant 0 : i32
        %dma_wait3A_337 = arith.constant 0 : i32
        %dma_wait3A_338 = tpu.memref_slice %arg2[%add3A_329, %dma_wait3A_336, %dma_wait3A_337] : memref<2560x1x128xi32, #tpu.memory_space<hbm>> -> memref<1x1x128xi32, #tpu.memory_space<hbm>>
        %dma_wait3A_339 = tpu.memref_squeeze %dma_wait3A_338 : memref<1x1x128xi32, #tpu.memory_space<hbm>> -> memref<1x128xi32, #tpu.memory_space<hbm>>
        %dma_wait3A_340 = arith.constant 0 : i32
        %dma_wait3A_341 = arith.constant 0 : i32
        %dma_wait3A_342 = tpu.memref_slice %arg6[%dma_wait3A_330, %dma_wait3A_331, %dma_wait3A_340, %dma_wait3A_341] : memref<4x2x1x128xi32, #tpu.memory_space<vmem>> -> memref<1x1x1x128xi32, #tpu.memory_space<vmem>>
        %dma_wait3A_343 = tpu.memref_squeeze %dma_wait3A_342 : memref<1x1x1x128xi32, #tpu.memory_space<vmem>> -> memref<1x128xi32, #tpu.memory_space<vmem>>
        %dma_wait3A_344 = arith.constant 0 : i32
        %dma_wait3A_345 = arith.constant 0 : i32
        %dma_wait3A_346 = tpu.memref_slice %arg2[%add3A_329, %dma_wait3A_344, %dma_wait3A_345] : memref<2560x1x128xi32, #tpu.memory_space<hbm>> -> memref<1x1x128xi32, #tpu.memory_space<hbm>>
        %dma_wait3A_347 = tpu.memref_squeeze %dma_wait3A_346 : memref<1x1x128xi32, #tpu.memory_space<hbm>> -> memref<1x128xi32, #tpu.memory_space<hbm>>
        tpu.wait_dma2 semaphore(%arg9 : memref<!tpu.dma_semaphore, #tpu.memory_space<semaphore_mem>>) src(%dma_wait3A_347 : memref<1x128xi32, #tpu.memory_space<hbm>>) dst(%dma_wait3A_343 : memref<1x128xi32, #tpu.memory_space<vmem>>)
        %add3A_348 = arith.addi %mul3A_4, %add3A_328 : i32
        %dma_wait3A_349 = arith.constant 3 : i32
        %dma_wait3A_350 = arith.constant 1 : i32
        %dma_wait3A_351 = arith.constant 0 : i32
        %dma_wait3A_352 = arith.constant 0 : i32
        %dma_wait3A_353 = tpu.memref_slice %arg6[%dma_wait3A_349, %dma_wait3A_350, %dma_wait3A_351, %dma_wait3A_352] : memref<4x2x1x128xi32, #tpu.memory_space<vmem>> -> memref<1x1x1x128xi32, #tpu.memory_space<vmem>>
        %dma_wait3A_354 = tpu.memref_squeeze %dma_wait3A_353 : memref<1x1x1x128xi32, #tpu.memory_space<vmem>> -> memref<1x128xi32, #tpu.memory_space<vmem>>
        %dma_wait3A_355 = arith.constant 0 : i32
        %dma_wait3A_356 = arith.constant 0 : i32
        %dma_wait3A_357 = tpu.memref_slice %arg3[%add3A_348, %dma_wait3A_355, %dma_wait3A_356] : memref<2560x1x128xi32, #tpu.memory_space<hbm>> -> memref<1x1x128xi32, #tpu.memory_space<hbm>>
        %dma_wait3A_358 = tpu.memref_squeeze %dma_wait3A_357 : memref<1x1x128xi32, #tpu.memory_space<hbm>> -> memref<1x128xi32, #tpu.memory_space<hbm>>
        %dma_wait3A_359 = arith.constant 0 : i32
        %dma_wait3A_360 = arith.constant 0 : i32
        %dma_wait3A_361 = tpu.memref_slice %arg6[%dma_wait3A_349, %dma_wait3A_350, %dma_wait3A_359, %dma_wait3A_360] : memref<4x2x1x128xi32, #tpu.memory_space<vmem>> -> memref<1x1x1x128xi32, #tpu.memory_space<vmem>>
        %dma_wait3A_362 = tpu.memref_squeeze %dma_wait3A_361 : memref<1x1x1x128xi32, #tpu.memory_space<vmem>> -> memref<1x128xi32, #tpu.memory_space<vmem>>
        %dma_wait3A_363 = arith.constant 0 : i32
        %dma_wait3A_364 = arith.constant 0 : i32
        %dma_wait3A_365 = tpu.memref_slice %arg3[%add3A_348, %dma_wait3A_363, %dma_wait3A_364] : memref<2560x1x128xi32, #tpu.memory_space<hbm>> -> memref<1x1x128xi32, #tpu.memory_space<hbm>>
        %dma_wait3A_366 = tpu.memref_squeeze %dma_wait3A_365 : memref<1x1x128xi32, #tpu.memory_space<hbm>> -> memref<1x128xi32, #tpu.memory_space<hbm>>
        tpu.wait_dma2 semaphore(%arg9 : memref<!tpu.dma_semaphore, #tpu.memory_space<semaphore_mem>>) src(%dma_wait3A_366 : memref<1x128xi32, #tpu.memory_space<hbm>>) dst(%dma_wait3A_362 : memref<1x128xi32, #tpu.memory_space<vmem>>)
        %add3A_367 = arith.constant 1 : i32
        %add3A_368 = arith.addi %add3A_268, %add3A_367 : i32
        %dma_start3A_369 = arith.constant 3 : i32
        %dma_start3A_370 = arith.constant 0 : i32
        %dma_start3A_371 = arith.constant 0 : i32
        %dma_start3A_372 = arith.constant 1 : i32
        %dma_start3A_373 = arith.constant 0 : i32
        %dma_start3A_374 = arith.constant 0 : i32
        %dma_start3A_375 = tpu.memref_slice %arg7[%dma_start3A_372, %dma_start3A_373, %dma_start3A_374] : memref<2x128x128xf32, #tpu.memory_space<vmem>> -> memref<1x128x128xf32, #tpu.memory_space<vmem>>
        %dma_start3A_376 = tpu.memref_squeeze %dma_start3A_375 : memref<1x128x128xf32, #tpu.memory_space<vmem>> -> memref<128x128xf32, #tpu.memory_space<vmem>>
        %dma_start3A_377 = arith.constant 0 : i32
        %dma_start3A_378 = tpu.memref_slice %arg6[%dma_start3A_369, %dma_start3A_370, %dma_start3A_371, %dma_start3A_377] : memref<4x2x1x128xi32, #tpu.memory_space<vmem>> -> memref<1x1x1x128xi32, #tpu.memory_space<vmem>>
        %dma_start3A_379 = tpu.memref_squeeze %dma_start3A_378 : memref<1x1x1x128xi32, #tpu.memory_space<vmem>> -> memref<128xi32, #tpu.memory_space<vmem>>
        %dma_start3A_380 = arith.constant 0 : i32
        %dma_start3A_381 = arith.constant 0 : i32
        %dma_start3A_382 = tpu.memref_slice %arg4[%dma_start3A_380, %dma_start3A_381] : memref<10240x128xf32, #tpu.memory_space<hbm>> -> memref<10240x128xf32, #tpu.memory_space<hbm>>
        tpu.enqueue_indirect_dma source(%dma_start3A_382 : memref<10240x128xf32, #tpu.memory_space<hbm>>) target(%dma_start3A_376 : memref<128x128xf32, #tpu.memory_space<vmem>>) offsets(%dma_start3A_379 : memref<128xi32, #tpu.memory_space<vmem>>) semaphore(%arg10 : memref<!tpu.dma_semaphore, #tpu.memory_space<semaphore_mem>>)
      } else {
      }
      %add3A_276 = arith.constant 3 : i32
      %add3A_277 = arith.addi %add3A_268, %add3A_276 : i32
      %lt3A_278 = arith.constant 80 : i32
      %lt3A_279 = arith.cmpi slt, %add3A_277, %lt3A_278 : i32
      %convert_element_type3A_280 = arith.extui %lt3A_279 : i1 to i32
      %cond3A_281 = arith.constant 0 : i32
      %cond3A_282 = arith.cmpi ne, %convert_element_type3A_280, %cond3A_281 : i32
      scf.if %cond3A_282 {
        %add3A_327 = arith.constant 3 : i32
        %add3A_328 = arith.addi %add3A_268, %add3A_327 : i32
        %add3A_329 = arith.addi %mul3A_4, %add3A_328 : i32
        %dma_start3A_330 = arith.constant 1 : i32
        %dma_start3A_331 = arith.constant 0 : i32
        %dma_start3A_332 = arith.constant 0 : i32
        %dma_start3A_333 = arith.constant 0 : i32
        %dma_start3A_334 = tpu.memref_slice %arg6[%dma_start3A_330, %dma_start3A_331, %dma_start3A_332, %dma_start3A_333] : memref<4x2x1x128xi32, #tpu.memory_space<vmem>> -> memref<1x1x1x128xi32, #tpu.memory_space<vmem>>
        %dma_start3A_335 = tpu.memref_squeeze %dma_start3A_334 : memref<1x1x1x128xi32, #tpu.memory_space<vmem>> -> memref<1x128xi32, #tpu.memory_space<vmem>>
        %dma_start3A_336 = arith.constant 0 : i32
        %dma_start3A_337 = arith.constant 0 : i32
        %dma_start3A_338 = tpu.memref_slice %arg2[%add3A_329, %dma_start3A_336, %dma_start3A_337] : memref<2560x1x128xi32, #tpu.memory_space<hbm>> -> memref<1x1x128xi32, #tpu.memory_space<hbm>>
        %dma_start3A_339 = tpu.memref_squeeze %dma_start3A_338 : memref<1x1x128xi32, #tpu.memory_space<hbm>> -> memref<1x128xi32, #tpu.memory_space<hbm>>
        %dma_start3A_340 = arith.constant 0 : i32
        %dma_start3A_341 = arith.constant 0 : i32
        %dma_start3A_342 = tpu.memref_slice %arg6[%dma_start3A_330, %dma_start3A_331, %dma_start3A_340, %dma_start3A_341] : memref<4x2x1x128xi32, #tpu.memory_space<vmem>> -> memref<1x1x1x128xi32, #tpu.memory_space<vmem>>
        %dma_start3A_343 = tpu.memref_squeeze %dma_start3A_342 : memref<1x1x1x128xi32, #tpu.memory_space<vmem>> -> memref<1x128xi32, #tpu.memory_space<vmem>>
        %dma_start3A_344 = arith.constant 0 : i32
        %dma_start3A_345 = arith.constant 0 : i32
        %dma_start3A_346 = tpu.memref_slice %arg2[%add3A_329, %dma_start3A_344, %dma_start3A_345] : memref<2560x1x128xi32, #tpu.memory_space<hbm>> -> memref<1x1x128xi32, #tpu.memory_space<hbm>>
        %dma_start3A_347 = tpu.memref_squeeze %dma_start3A_346 : memref<1x1x128xi32, #tpu.memory_space<hbm>> -> memref<1x128xi32, #tpu.memory_space<hbm>>
        tpu.enqueue_dma source(%dma_start3A_347 : memref<1x128xi32, #tpu.memory_space<hbm>>) target(%dma_start3A_343 : memref<1x128xi32, #tpu.memory_space<vmem>>) target_semaphore(%arg9 : memref<!tpu.dma_semaphore, #tpu.memory_space<semaphore_mem>>)
        %add3A_348 = arith.addi %mul3A_4, %add3A_328 : i32
        %dma_start3A_349 = arith.constant 1 : i32
        %dma_start3A_350 = arith.constant 1 : i32
        %dma_start3A_351 = arith.constant 0 : i32
        %dma_start3A_352 = arith.constant 0 : i32
        %dma_start3A_353 = tpu.memref_slice %arg6[%dma_start3A_349, %dma_start3A_350, %dma_start3A_351, %dma_start3A_352] : memref<4x2x1x128xi32, #tpu.memory_space<vmem>> -> memref<1x1x1x128xi32, #tpu.memory_space<vmem>>
        %dma_start3A_354 = tpu.memref_squeeze %dma_start3A_353 : memref<1x1x1x128xi32, #tpu.memory_space<vmem>> -> memref<1x128xi32, #tpu.memory_space<vmem>>
        %dma_start3A_355 = arith.constant 0 : i32
        %dma_start3A_356 = arith.constant 0 : i32
        %dma_start3A_357 = tpu.memref_slice %arg3[%add3A_348, %dma_start3A_355, %dma_start3A_356] : memref<2560x1x128xi32, #tpu.memory_space<hbm>> -> memref<1x1x128xi32, #tpu.memory_space<hbm>>
        %dma_start3A_358 = tpu.memref_squeeze %dma_start3A_357 : memref<1x1x128xi32, #tpu.memory_space<hbm>> -> memref<1x128xi32, #tpu.memory_space<hbm>>
        %dma_start3A_359 = arith.constant 0 : i32
        %dma_start3A_360 = arith.constant 0 : i32
        %dma_start3A_361 = tpu.memref_slice %arg6[%dma_start3A_349, %dma_start3A_350, %dma_start3A_359, %dma_start3A_360] : memref<4x2x1x128xi32, #tpu.memory_space<vmem>> -> memref<1x1x1x128xi32, #tpu.memory_space<vmem>>
        %dma_start3A_362 = tpu.memref_squeeze %dma_start3A_361 : memref<1x1x1x128xi32, #tpu.memory_space<vmem>> -> memref<1x128xi32, #tpu.memory_space<vmem>>
        %dma_start3A_363 = arith.constant 0 : i32
        %dma_start3A_364 = arith.constant 0 : i32
        %dma_start3A_365 = tpu.memref_slice %arg3[%add3A_348, %dma_start3A_363, %dma_start3A_364] : memref<2560x1x128xi32, #tpu.memory_space<hbm>> -> memref<1x1x128xi32, #tpu.memory_space<hbm>>
        %dma_start3A_366 = tpu.memref_squeeze %dma_start3A_365 : memref<1x1x128xi32, #tpu.memory_space<hbm>> -> memref<1x128xi32, #tpu.memory_space<hbm>>
        tpu.enqueue_dma source(%dma_start3A_366 : memref<1x128xi32, #tpu.memory_space<hbm>>) target(%dma_start3A_362 : memref<1x128xi32, #tpu.memory_space<vmem>>) target_semaphore(%arg9 : memref<!tpu.dma_semaphore, #tpu.memory_space<semaphore_mem>>)
      } else {
      }
      %dma_wait3A_283 = arith.constant 2 : i32
      %dma_wait3A_284 = arith.constant 0 : i32
      %dma_wait3A_285 = arith.constant 0 : i32
      %dma_wait3A_286 = arith.constant 0 : i32
      %dma_wait3A_287 = arith.constant 0 : i32
      %dma_wait3A_288 = arith.constant 0 : i32
      %dma_wait3A_289 = tpu.memref_slice %arg7[%dma_wait3A_286, %dma_wait3A_287, %dma_wait3A_288] : memref<2x128x128xf32, #tpu.memory_space<vmem>> -> memref<1x128x128xf32, #tpu.memory_space<vmem>>
      %dma_wait3A_290 = tpu.memref_squeeze %dma_wait3A_289 : memref<1x128x128xf32, #tpu.memory_space<vmem>> -> memref<128x128xf32, #tpu.memory_space<vmem>>
      %dma_wait3A_291 = arith.constant 0 : i32
      %dma_wait3A_292 = tpu.memref_slice %arg6[%dma_wait3A_283, %dma_wait3A_284, %dma_wait3A_285, %dma_wait3A_291] : memref<4x2x1x128xi32, #tpu.memory_space<vmem>> -> memref<1x1x1x128xi32, #tpu.memory_space<vmem>>
      %dma_wait3A_293 = tpu.memref_squeeze %dma_wait3A_292 : memref<1x1x1x128xi32, #tpu.memory_space<vmem>> -> memref<128xi32, #tpu.memory_space<vmem>>
      %dma_wait3A_294 = arith.constant 0 : i32
      %dma_wait3A_295 = arith.constant 0 : i32
      %dma_wait3A_296 = tpu.memref_slice %arg4[%dma_wait3A_294, %dma_wait3A_295] : memref<10240x128xf32, #tpu.memory_space<hbm>> -> memref<10240x128xf32, #tpu.memory_space<hbm>>
      tpu.wait_indirect_dma semaphore(%arg10 : memref<!tpu.dma_semaphore, #tpu.memory_space<semaphore_mem>>) src(%dma_wait3A_296 : memref<10240x128xf32, #tpu.memory_space<hbm>>) dst(%dma_wait3A_290 : memref<128x128xf32, #tpu.memory_space<vmem>>)
      %add3A_297 = arith.constant 3 : i32
      %add3A_298 = arith.addi %mul3A_207, %add3A_297 : i32
      %add3A_299 = arith.constant 1 : i32
      %add3A_300 = arith.addi %add3A_298, %add3A_299 : i32
      %lt3A_301 = arith.constant 80 : i32
      %lt3A_302 = arith.cmpi slt, %add3A_300, %lt3A_301 : i32
      %convert_element_type3A_303 = arith.extui %lt3A_302 : i1 to i32
      %cond3A_304 = arith.constant 0 : i32
      %cond3A_305 = arith.cmpi ne, %convert_element_type3A_303, %cond3A_304 : i32
      scf.if %cond3A_305 {
        %add3A_327 = arith.constant 1 : i32
        %add3A_328 = arith.addi %add3A_298, %add3A_327 : i32
        %add3A_329 = arith.addi %mul3A_4, %add3A_328 : i32
        %dma_wait3A_330 = arith.constant 0 : i32
        %dma_wait3A_331 = arith.constant 0 : i32
        %dma_wait3A_332 = arith.constant 0 : i32
        %dma_wait3A_333 = arith.constant 0 : i32
        %dma_wait3A_334 = tpu.memref_slice %arg6[%dma_wait3A_330, %dma_wait3A_331, %dma_wait3A_332, %dma_wait3A_333] : memref<4x2x1x128xi32, #tpu.memory_space<vmem>> -> memref<1x1x1x128xi32, #tpu.memory_space<vmem>>
        %dma_wait3A_335 = tpu.memref_squeeze %dma_wait3A_334 : memref<1x1x1x128xi32, #tpu.memory_space<vmem>> -> memref<1x128xi32, #tpu.memory_space<vmem>>
        %dma_wait3A_336 = arith.constant 0 : i32
        %dma_wait3A_337 = arith.constant 0 : i32
        %dma_wait3A_338 = tpu.memref_slice %arg2[%add3A_329, %dma_wait3A_336, %dma_wait3A_337] : memref<2560x1x128xi32, #tpu.memory_space<hbm>> -> memref<1x1x128xi32, #tpu.memory_space<hbm>>
        %dma_wait3A_339 = tpu.memref_squeeze %dma_wait3A_338 : memref<1x1x128xi32, #tpu.memory_space<hbm>> -> memref<1x128xi32, #tpu.memory_space<hbm>>
        %dma_wait3A_340 = arith.constant 0 : i32
        %dma_wait3A_341 = arith.constant 0 : i32
        %dma_wait3A_342 = tpu.memref_slice %arg6[%dma_wait3A_330, %dma_wait3A_331, %dma_wait3A_340, %dma_wait3A_341] : memref<4x2x1x128xi32, #tpu.memory_space<vmem>> -> memref<1x1x1x128xi32, #tpu.memory_space<vmem>>
        %dma_wait3A_343 = tpu.memref_squeeze %dma_wait3A_342 : memref<1x1x1x128xi32, #tpu.memory_space<vmem>> -> memref<1x128xi32, #tpu.memory_space<vmem>>
        %dma_wait3A_344 = arith.constant 0 : i32
        %dma_wait3A_345 = arith.constant 0 : i32
        %dma_wait3A_346 = tpu.memref_slice %arg2[%add3A_329, %dma_wait3A_344, %dma_wait3A_345] : memref<2560x1x128xi32, #tpu.memory_space<hbm>> -> memref<1x1x128xi32, #tpu.memory_space<hbm>>
        %dma_wait3A_347 = tpu.memref_squeeze %dma_wait3A_346 : memref<1x1x128xi32, #tpu.memory_space<hbm>> -> memref<1x128xi32, #tpu.memory_space<hbm>>
        tpu.wait_dma2 semaphore(%arg9 : memref<!tpu.dma_semaphore, #tpu.memory_space<semaphore_mem>>) src(%dma_wait3A_347 : memref<1x128xi32, #tpu.memory_space<hbm>>) dst(%dma_wait3A_343 : memref<1x128xi32, #tpu.memory_space<vmem>>)
        %add3A_348 = arith.addi %mul3A_4, %add3A_328 : i32
        %dma_wait3A_349 = arith.constant 0 : i32
        %dma_wait3A_350 = arith.constant 1 : i32
        %dma_wait3A_351 = arith.constant 0 : i32
        %dma_wait3A_352 = arith.constant 0 : i32
        %dma_wait3A_353 = tpu.memref_slice %arg6[%dma_wait3A_349, %dma_wait3A_350, %dma_wait3A_351, %dma_wait3A_352] : memref<4x2x1x128xi32, #tpu.memory_space<vmem>> -> memref<1x1x1x128xi32, #tpu.memory_space<vmem>>
        %dma_wait3A_354 = tpu.memref_squeeze %dma_wait3A_353 : memref<1x1x1x128xi32, #tpu.memory_space<vmem>> -> memref<1x128xi32, #tpu.memory_space<vmem>>
        %dma_wait3A_355 = arith.constant 0 : i32
        %dma_wait3A_356 = arith.constant 0 : i32
        %dma_wait3A_357 = tpu.memref_slice %arg3[%add3A_348, %dma_wait3A_355, %dma_wait3A_356] : memref<2560x1x128xi32, #tpu.memory_space<hbm>> -> memref<1x1x128xi32, #tpu.memory_space<hbm>>
        %dma_wait3A_358 = tpu.memref_squeeze %dma_wait3A_357 : memref<1x1x128xi32, #tpu.memory_space<hbm>> -> memref<1x128xi32, #tpu.memory_space<hbm>>
        %dma_wait3A_359 = arith.constant 0 : i32
        %dma_wait3A_360 = arith.constant 0 : i32
        %dma_wait3A_361 = tpu.memref_slice %arg6[%dma_wait3A_349, %dma_wait3A_350, %dma_wait3A_359, %dma_wait3A_360] : memref<4x2x1x128xi32, #tpu.memory_space<vmem>> -> memref<1x1x1x128xi32, #tpu.memory_space<vmem>>
        %dma_wait3A_362 = tpu.memref_squeeze %dma_wait3A_361 : memref<1x1x1x128xi32, #tpu.memory_space<vmem>> -> memref<1x128xi32, #tpu.memory_space<vmem>>
        %dma_wait3A_363 = arith.constant 0 : i32
        %dma_wait3A_364 = arith.constant 0 : i32
        %dma_wait3A_365 = tpu.memref_slice %arg3[%add3A_348, %dma_wait3A_363, %dma_wait3A_364] : memref<2560x1x128xi32, #tpu.memory_space<hbm>> -> memref<1x1x128xi32, #tpu.memory_space<hbm>>
        %dma_wait3A_366 = tpu.memref_squeeze %dma_wait3A_365 : memref<1x1x128xi32, #tpu.memory_space<hbm>> -> memref<1x128xi32, #tpu.memory_space<hbm>>
        tpu.wait_dma2 semaphore(%arg9 : memref<!tpu.dma_semaphore, #tpu.memory_space<semaphore_mem>>) src(%dma_wait3A_366 : memref<1x128xi32, #tpu.memory_space<hbm>>) dst(%dma_wait3A_362 : memref<1x128xi32, #tpu.memory_space<vmem>>)
        %add3A_367 = arith.constant 1 : i32
        %add3A_368 = arith.addi %add3A_298, %add3A_367 : i32
        %dma_start3A_369 = arith.constant 0 : i32
        %dma_start3A_370 = arith.constant 0 : i32
        %dma_start3A_371 = arith.constant 0 : i32
        %dma_start3A_372 = arith.constant 0 : i32
        %dma_start3A_373 = arith.constant 0 : i32
        %dma_start3A_374 = arith.constant 0 : i32
        %dma_start3A_375 = tpu.memref_slice %arg7[%dma_start3A_372, %dma_start3A_373, %dma_start3A_374] : memref<2x128x128xf32, #tpu.memory_space<vmem>> -> memref<1x128x128xf32, #tpu.memory_space<vmem>>
        %dma_start3A_376 = tpu.memref_squeeze %dma_start3A_375 : memref<1x128x128xf32, #tpu.memory_space<vmem>> -> memref<128x128xf32, #tpu.memory_space<vmem>>
        %dma_start3A_377 = arith.constant 0 : i32
        %dma_start3A_378 = tpu.memref_slice %arg6[%dma_start3A_369, %dma_start3A_370, %dma_start3A_371, %dma_start3A_377] : memref<4x2x1x128xi32, #tpu.memory_space<vmem>> -> memref<1x1x1x128xi32, #tpu.memory_space<vmem>>
        %dma_start3A_379 = tpu.memref_squeeze %dma_start3A_378 : memref<1x1x1x128xi32, #tpu.memory_space<vmem>> -> memref<128xi32, #tpu.memory_space<vmem>>
        %dma_start3A_380 = arith.constant 0 : i32
        %dma_start3A_381 = arith.constant 0 : i32
        %dma_start3A_382 = tpu.memref_slice %arg4[%dma_start3A_380, %dma_start3A_381] : memref<10240x128xf32, #tpu.memory_space<hbm>> -> memref<10240x128xf32, #tpu.memory_space<hbm>>
        tpu.enqueue_indirect_dma source(%dma_start3A_382 : memref<10240x128xf32, #tpu.memory_space<hbm>>) target(%dma_start3A_376 : memref<128x128xf32, #tpu.memory_space<vmem>>) offsets(%dma_start3A_379 : memref<128xi32, #tpu.memory_space<vmem>>) semaphore(%arg10 : memref<!tpu.dma_semaphore, #tpu.memory_space<semaphore_mem>>)
      } else {
      }
      %add3A_306 = arith.constant 3 : i32
      %add3A_307 = arith.addi %add3A_298, %add3A_306 : i32
      %lt3A_308 = arith.constant 80 : i32
      %lt3A_309 = arith.cmpi slt, %add3A_307, %lt3A_308 : i32
      %convert_element_type3A_310 = arith.extui %lt3A_309 : i1 to i32
      %cond3A_311 = arith.constant 0 : i32
      %cond3A_312 = arith.cmpi ne, %convert_element_type3A_310, %cond3A_311 : i32
      scf.if %cond3A_312 {
        %add3A_327 = arith.constant 3 : i32
        %add3A_328 = arith.addi %add3A_298, %add3A_327 : i32
        %add3A_329 = arith.addi %mul3A_4, %add3A_328 : i32
        %dma_start3A_330 = arith.constant 2 : i32
        %dma_start3A_331 = arith.constant 0 : i32
        %dma_start3A_332 = arith.constant 0 : i32
        %dma_start3A_333 = arith.constant 0 : i32
        %dma_start3A_334 = tpu.memref_slice %arg6[%dma_start3A_330, %dma_start3A_331, %dma_start3A_332, %dma_start3A_333] : memref<4x2x1x128xi32, #tpu.memory_space<vmem>> -> memref<1x1x1x128xi32, #tpu.memory_space<vmem>>
        %dma_start3A_335 = tpu.memref_squeeze %dma_start3A_334 : memref<1x1x1x128xi32, #tpu.memory_space<vmem>> -> memref<1x128xi32, #tpu.memory_space<vmem>>
        %dma_start3A_336 = arith.constant 0 : i32
        %dma_start3A_337 = arith.constant 0 : i32
        %dma_start3A_338 = tpu.memref_slice %arg2[%add3A_329, %dma_start3A_336, %dma_start3A_337] : memref<2560x1x128xi32, #tpu.memory_space<hbm>> -> memref<1x1x128xi32, #tpu.memory_space<hbm>>
        %dma_start3A_339 = tpu.memref_squeeze %dma_start3A_338 : memref<1x1x128xi32, #tpu.memory_space<hbm>> -> memref<1x128xi32, #tpu.memory_space<hbm>>
        %dma_start3A_340 = arith.constant 0 : i32
        %dma_start3A_341 = arith.constant 0 : i32
        %dma_start3A_342 = tpu.memref_slice %arg6[%dma_start3A_330, %dma_start3A_331, %dma_start3A_340, %dma_start3A_341] : memref<4x2x1x128xi32, #tpu.memory_space<vmem>> -> memref<1x1x1x128xi32, #tpu.memory_space<vmem>>
        %dma_start3A_343 = tpu.memref_squeeze %dma_start3A_342 : memref<1x1x1x128xi32, #tpu.memory_space<vmem>> -> memref<1x128xi32, #tpu.memory_space<vmem>>
        %dma_start3A_344 = arith.constant 0 : i32
        %dma_start3A_345 = arith.constant 0 : i32
        %dma_start3A_346 = tpu.memref_slice %arg2[%add3A_329, %dma_start3A_344, %dma_start3A_345] : memref<2560x1x128xi32, #tpu.memory_space<hbm>> -> memref<1x1x128xi32, #tpu.memory_space<hbm>>
        %dma_start3A_347 = tpu.memref_squeeze %dma_start3A_346 : memref<1x1x128xi32, #tpu.memory_space<hbm>> -> memref<1x128xi32, #tpu.memory_space<hbm>>
        tpu.enqueue_dma source(%dma_start3A_347 : memref<1x128xi32, #tpu.memory_space<hbm>>) target(%dma_start3A_343 : memref<1x128xi32, #tpu.memory_space<vmem>>) target_semaphore(%arg9 : memref<!tpu.dma_semaphore, #tpu.memory_space<semaphore_mem>>)
        %add3A_348 = arith.addi %mul3A_4, %add3A_328 : i32
        %dma_start3A_349 = arith.constant 2 : i32
        %dma_start3A_350 = arith.constant 1 : i32
        %dma_start3A_351 = arith.constant 0 : i32
        %dma_start3A_352 = arith.constant 0 : i32
        %dma_start3A_353 = tpu.memref_slice %arg6[%dma_start3A_349, %dma_start3A_350, %dma_start3A_351, %dma_start3A_352] : memref<4x2x1x128xi32, #tpu.memory_space<vmem>> -> memref<1x1x1x128xi32, #tpu.memory_space<vmem>>
        %dma_start3A_354 = tpu.memref_squeeze %dma_start3A_353 : memref<1x1x1x128xi32, #tpu.memory_space<vmem>> -> memref<1x128xi32, #tpu.memory_space<vmem>>
        %dma_start3A_355 = arith.constant 0 : i32
        %dma_start3A_356 = arith.constant 0 : i32
        %dma_start3A_357 = tpu.memref_slice %arg3[%add3A_348, %dma_start3A_355, %dma_start3A_356] : memref<2560x1x128xi32, #tpu.memory_space<hbm>> -> memref<1x1x128xi32, #tpu.memory_space<hbm>>
        %dma_start3A_358 = tpu.memref_squeeze %dma_start3A_357 : memref<1x1x128xi32, #tpu.memory_space<hbm>> -> memref<1x128xi32, #tpu.memory_space<hbm>>
        %dma_start3A_359 = arith.constant 0 : i32
        %dma_start3A_360 = arith.constant 0 : i32
        %dma_start3A_361 = tpu.memref_slice %arg6[%dma_start3A_349, %dma_start3A_350, %dma_start3A_359, %dma_start3A_360] : memref<4x2x1x128xi32, #tpu.memory_space<vmem>> -> memref<1x1x1x128xi32, #tpu.memory_space<vmem>>
        %dma_start3A_362 = tpu.memref_squeeze %dma_start3A_361 : memref<1x1x1x128xi32, #tpu.memory_space<vmem>> -> memref<1x128xi32, #tpu.memory_space<vmem>>
        %dma_start3A_363 = arith.constant 0 : i32
        %dma_start3A_364 = arith.constant 0 : i32
        %dma_start3A_365 = tpu.memref_slice %arg3[%add3A_348, %dma_start3A_363, %dma_start3A_364] : memref<2560x1x128xi32, #tpu.memory_space<hbm>> -> memref<1x1x128xi32, #tpu.memory_space<hbm>>
        %dma_start3A_366 = tpu.memref_squeeze %dma_start3A_365 : memref<1x1x128xi32, #tpu.memory_space<hbm>> -> memref<1x128xi32, #tpu.memory_space<hbm>>
        tpu.enqueue_dma source(%dma_start3A_366 : memref<1x128xi32, #tpu.memory_space<hbm>>) target(%dma_start3A_362 : memref<1x128xi32, #tpu.memory_space<vmem>>) target_semaphore(%arg9 : memref<!tpu.dma_semaphore, #tpu.memory_space<semaphore_mem>>)
      } else {
      }
      %dma_wait3A_313 = arith.constant 3 : i32
      %dma_wait3A_314 = arith.constant 0 : i32
      %dma_wait3A_315 = arith.constant 0 : i32
      %dma_wait3A_316 = arith.constant 1 : i32
      %dma_wait3A_317 = arith.constant 0 : i32
      %dma_wait3A_318 = arith.constant 0 : i32
      %dma_wait3A_319 = tpu.memref_slice %arg7[%dma_wait3A_316, %dma_wait3A_317, %dma_wait3A_318] : memref<2x128x128xf32, #tpu.memory_space<vmem>> -> memref<1x128x128xf32, #tpu.memory_space<vmem>>
      %dma_wait3A_320 = tpu.memref_squeeze %dma_wait3A_319 : memref<1x128x128xf32, #tpu.memory_space<vmem>> -> memref<128x128xf32, #tpu.memory_space<vmem>>
      %dma_wait3A_321 = arith.constant 0 : i32
      %dma_wait3A_322 = tpu.memref_slice %arg6[%dma_wait3A_313, %dma_wait3A_314, %dma_wait3A_315, %dma_wait3A_321] : memref<4x2x1x128xi32, #tpu.memory_space<vmem>> -> memref<1x1x1x128xi32, #tpu.memory_space<vmem>>
      %dma_wait3A_323 = tpu.memref_squeeze %dma_wait3A_322 : memref<1x1x1x128xi32, #tpu.memory_space<vmem>> -> memref<128xi32, #tpu.memory_space<vmem>>
      %dma_wait3A_324 = arith.constant 0 : i32
      %dma_wait3A_325 = arith.constant 0 : i32
      %dma_wait3A_326 = tpu.memref_slice %arg4[%dma_wait3A_324, %dma_wait3A_325] : memref<10240x128xf32, #tpu.memory_space<hbm>> -> memref<10240x128xf32, #tpu.memory_space<hbm>>
      tpu.wait_indirect_dma semaphore(%arg10 : memref<!tpu.dma_semaphore, #tpu.memory_space<semaphore_mem>>) src(%dma_wait3A_326 : memref<10240x128xf32, #tpu.memory_space<hbm>>) dst(%dma_wait3A_320 : memref<128x128xf32, #tpu.memory_space<vmem>>)
    }
    %scan3A_201 = arith.constant 20 : i32
    %barrier3A_202 = arith.constant 0 : index
    tpu.barrier barrier_id(%barrier3A_202)
    %eq3A = arith.constant 0 : i32
    %eq3A_203 = arith.cmpi eq, %arg1, %eq3A : i32
    %convert_element_type3A = arith.extui %eq3A_203 : i1 to i32
    %cond3A = arith.constant 0 : i32
    %cond3A_204 = arith.cmpi ne, %convert_element_type3A, %cond3A : i32
    scf.if %cond3A_204 {
      "tpu.region"() ({
        %run_scoped3A_205 = tpu.sem_alloc : memref<!tpu.dma_semaphore, #tpu.memory_space<semaphore_mem>>
        %dma_start3A_206 = arith.constant 0 : i32
        %dma_start3A_207 = arith.constant 0 : i32
        %dma_start3A_208 = tpu.memref_slice %arg5[%arg0, %dma_start3A_206, %dma_start3A_207] : memref<2x10240x128xf32, #tpu.memory_space<hbm>> -> memref<1x10240x128xf32, #tpu.memory_space<hbm>>
        %dma_start3A_209 = tpu.memref_squeeze %dma_start3A_208 : memref<1x10240x128xf32, #tpu.memory_space<hbm>> -> memref<10240x128xf32, #tpu.memory_space<hbm>>
        tpu.enqueue_dma source(%arg8 : memref<10240x128xf32, #tpu.memory_space<vmem_shared>>) target(%dma_start3A_209 : memref<10240x128xf32, #tpu.memory_space<hbm>>) target_semaphore(%run_scoped3A_205 : memref<!tpu.dma_semaphore, #tpu.memory_space<semaphore_mem>>)
        %dma_wait3A_210 = arith.constant 0 : i32
        %dma_wait3A_211 = arith.constant 0 : i32
        %dma_wait3A_212 = tpu.memref_slice %arg5[%arg0, %dma_wait3A_210, %dma_wait3A_211] : memref<2x10240x128xf32, #tpu.memory_space<hbm>> -> memref<1x10240x128xf32, #tpu.memory_space<hbm>>
        %dma_wait3A_213 = tpu.memref_squeeze %dma_wait3A_212 : memref<1x10240x128xf32, #tpu.memory_space<hbm>> -> memref<10240x128xf32, #tpu.memory_space<hbm>>
        tpu.wait_dma2 semaphore(%run_scoped3A_205 : memref<!tpu.dma_semaphore, #tpu.memory_space<semaphore_mem>>) src(%arg8 : memref<10240x128xf32, #tpu.memory_space<vmem_shared>>) dst(%dma_wait3A_213 : memref<10240x128xf32, #tpu.memory_space<hbm>>)
        tpu.yield
      }) : () -> ()
    } else {
    }
    return
  }
}

#map = affine_map<(d0, d1) -> (0, 0, 0, 0)>
#map1 = affine_map<(d0, d1) -> (0)>
module attributes {stable_mosaic.version = 14 : i64} {
  func.func @body(%arg0: i32, %arg1: i32, %arg2: memref<32x80x1x128xi32, #tpu.memory_space<hbm>>, %arg3: memref<128xf32, #tpu.memory_space<hbm>>, %arg4: memref<640xf32, #tpu.memory_space<hbm>>, %arg5: memref<20480xf32, #tpu.memory_space<hbm>>, %arg6: memref<80x1x128xi32, #tpu.memory_space<vmem>>, %arg7: memref<128xf32, #tpu.memory_space<vmem>>, %arg8: memref<10240xf32, #tpu.memory_space<vmem_shared>>, %arg9: memref<!tpu.dma_semaphore, #tpu.memory_space<semaphore_mem>>) attributes {dimension_semantics = [#tpu.dimension_semantics<core_parallel>, #tpu.dimension_semantics<subcore_parallel>], iteration_bounds = array<i64: 2, 16>, scalar_prefetch = 0 : i64, scratch_operands = 4 : i64, tpu.core_type = #tpu.core_type<sc_vector_subcore>, window_params = [{transform_indices = #map}, {transform_indices = #map1}, {transform_indices = #map1}, {transform_indices = #map1}]} {
    %mul3A = arith.constant 640 : i32
    %mul3A_0 = arith.muli %arg1, %mul3A : i32
    %mul3A_1 = arith.constant 16 : i32
    %mul3A_2 = arith.muli %arg0, %mul3A_1 : i32
    %add3A = arith.addi %mul3A_2, %arg1 : i32
    "tpu.region"() ({
      %run_scoped3A = tpu.sem_alloc : memref<!tpu.dma_semaphore, #tpu.memory_space<semaphore_mem>>
      %dma_start3A = tpu.memref_slice %arg8[%mul3A_0] : memref<10240xf32, #tpu.memory_space<vmem_shared>> -> memref<640xf32, #tpu.memory_space<vmem_shared>>
      tpu.enqueue_dma source(%arg4 : memref<640xf32, #tpu.memory_space<hbm>>) target(%dma_start3A : memref<640xf32, #tpu.memory_space<vmem_shared>>) target_semaphore(%run_scoped3A : memref<!tpu.dma_semaphore, #tpu.memory_space<semaphore_mem>>)
      %dma_wait3A_39 = tpu.memref_slice %arg8[%mul3A_0] : memref<10240xf32, #tpu.memory_space<vmem_shared>> -> memref<640xf32, #tpu.memory_space<vmem_shared>>
      tpu.wait_dma2 semaphore(%run_scoped3A : memref<!tpu.dma_semaphore, #tpu.memory_space<semaphore_mem>>) src(%arg4 : memref<640xf32, #tpu.memory_space<hbm>>) dst(%dma_wait3A_39 : memref<640xf32, #tpu.memory_space<vmem_shared>>)
      tpu.yield
    }) : () -> ()
    "tpu.region"() ({
      %run_scoped3A = tpu.sem_alloc : memref<!tpu.dma_semaphore, #tpu.memory_space<semaphore_mem>>
      tpu.enqueue_dma source(%arg3 : memref<128xf32, #tpu.memory_space<hbm>>) target(%arg7 : memref<128xf32, #tpu.memory_space<vmem>>) target_semaphore(%run_scoped3A : memref<!tpu.dma_semaphore, #tpu.memory_space<semaphore_mem>>)
      tpu.wait_dma2 semaphore(%run_scoped3A : memref<!tpu.dma_semaphore, #tpu.memory_space<semaphore_mem>>) src(%arg3 : memref<128xf32, #tpu.memory_space<hbm>>) dst(%arg7 : memref<128xf32, #tpu.memory_space<vmem>>)
      tpu.yield
    }) : () -> ()
    "tpu.region"() ({
      %run_scoped3A = tpu.sem_alloc : memref<!tpu.dma_semaphore, #tpu.memory_space<semaphore_mem>>
      %dma_start3A = arith.constant 0 : i32
      %dma_start3A_39 = arith.constant 0 : i32
      %dma_start3A_40 = arith.constant 0 : i32
      %dma_start3A_41 = tpu.memref_slice %arg2[%add3A, %dma_start3A, %dma_start3A_39, %dma_start3A_40] : memref<32x80x1x128xi32, #tpu.memory_space<hbm>> -> memref<1x80x1x128xi32, #tpu.memory_space<hbm>>
      %dma_start3A_42 = tpu.memref_squeeze %dma_start3A_41 : memref<1x80x1x128xi32, #tpu.memory_space<hbm>> -> memref<80x1x128xi32, #tpu.memory_space<hbm>>
      %dma_start3A_43 = arith.constant 0 : i32
      %dma_start3A_44 = arith.constant 0 : i32
      %dma_start3A_45 = arith.constant 0 : i32
      %dma_start3A_46 = tpu.memref_slice %arg2[%add3A, %dma_start3A_43, %dma_start3A_44, %dma_start3A_45] : memref<32x80x1x128xi32, #tpu.memory_space<hbm>> -> memref<1x80x1x128xi32, #tpu.memory_space<hbm>>
      %dma_start3A_47 = tpu.memref_squeeze %dma_start3A_46 : memref<1x80x1x128xi32, #tpu.memory_space<hbm>> -> memref<80x1x128xi32, #tpu.memory_space<hbm>>
      tpu.enqueue_dma source(%dma_start3A_47 : memref<80x1x128xi32, #tpu.memory_space<hbm>>) target(%arg6 : memref<80x1x128xi32, #tpu.memory_space<vmem>>) target_semaphore(%run_scoped3A : memref<!tpu.dma_semaphore, #tpu.memory_space<semaphore_mem>>)
      %dma_wait3A_48 = arith.constant 0 : i32
      %dma_wait3A_49 = arith.constant 0 : i32
      %dma_wait3A_50 = arith.constant 0 : i32
      %dma_wait3A_51 = tpu.memref_slice %arg2[%add3A, %dma_wait3A_48, %dma_wait3A_49, %dma_wait3A_50] : memref<32x80x1x128xi32, #tpu.memory_space<hbm>> -> memref<1x80x1x128xi32, #tpu.memory_space<hbm>>
      %dma_wait3A_52 = tpu.memref_squeeze %dma_wait3A_51 : memref<1x80x1x128xi32, #tpu.memory_space<hbm>> -> memref<80x1x128xi32, #tpu.memory_space<hbm>>
      %dma_wait3A_53 = arith.constant 0 : i32
      %dma_wait3A_54 = arith.constant 0 : i32
      %dma_wait3A_55 = arith.constant 0 : i32
      %dma_wait3A_56 = tpu.memref_slice %arg2[%add3A, %dma_wait3A_53, %dma_wait3A_54, %dma_wait3A_55] : memref<32x80x1x128xi32, #tpu.memory_space<hbm>> -> memref<1x80x1x128xi32, #tpu.memory_space<hbm>>
      %dma_wait3A_57 = tpu.memref_squeeze %dma_wait3A_56 : memref<1x80x1x128xi32, #tpu.memory_space<hbm>> -> memref<80x1x128xi32, #tpu.memory_space<hbm>>
      tpu.wait_dma2 semaphore(%run_scoped3A : memref<!tpu.dma_semaphore, #tpu.memory_space<semaphore_mem>>) src(%dma_wait3A_57 : memref<80x1x128xi32, #tpu.memory_space<hbm>>) dst(%arg6 : memref<80x1x128xi32, #tpu.memory_space<vmem>>)
      tpu.yield
    }) : () -> ()
    %barrier3A = arith.constant 0 : index
    tpu.barrier barrier_id(%barrier3A)
    %scan3A = arith.constant 0 : i32
    %scan3A_3 = arith.constant 0 : i32
    %scan3A_4 = arith.constant 80 : i32
    %scan3A_5 = arith.addi %scan3A_3, %scan3A_4 : i32
    %scan3A_6 = arith.constant 1 : i32
    scf.for %scan3A_39 = %scan3A_3 to %scan3A_5 step %scan3A_6  : i32 {
      %ge3A = arith.constant 4 : i32
      %ge3A_40 = arith.cmpi sge, %scan3A_39, %ge3A : i32
      %convert_element_type3A = arith.extui %ge3A_40 : i1 to i32
      %cond3A = arith.constant 0 : i32
      %cond3A_41 = arith.cmpi ne, %convert_element_type3A, %cond3A : i32
      scf.if %cond3A_41 {
        %sub3A = arith.constant 4 : i32
        %sub3A_47 = arith.subi %scan3A_39, %sub3A : i32
        %dma_wait3A_48 = arith.constant 0 : i32
        %dma_wait3A_49 = arith.constant 0 : i32
        %dma_wait3A_50 = tpu.memref_slice %arg6[%sub3A_47, %dma_wait3A_48, %dma_wait3A_49] : memref<80x1x128xi32, #tpu.memory_space<vmem>> -> memref<1x1x128xi32, #tpu.memory_space<vmem>>
        %dma_wait3A_51 = tpu.memref_squeeze %dma_wait3A_50 : memref<1x1x128xi32, #tpu.memory_space<vmem>> -> memref<128xi32, #tpu.memory_space<vmem>>
        %dma_wait3A_52 = arith.constant 0 : i32
        %dma_wait3A_53 = tpu.memref_slice %arg8[%dma_wait3A_52] : memref<10240xf32, #tpu.memory_space<vmem_shared>> -> memref<10240xf32, #tpu.memory_space<vmem_shared>>
        tpu.wait_indirect_dma semaphore(%arg9 : memref<!tpu.dma_semaphore, #tpu.memory_space<semaphore_mem>>) src(%arg7 : memref<128xf32, #tpu.memory_space<vmem>>) dst(%dma_wait3A_53 : memref<10240xf32, #tpu.memory_space<vmem_shared>>)
      } else {
      }
      %dma_start3A = arith.constant 0 : i32
      %dma_start3A_42 = arith.constant 0 : i32
      %dma_start3A_43 = tpu.memref_slice %arg6[%scan3A_39, %dma_start3A, %dma_start3A_42] : memref<80x1x128xi32, #tpu.memory_space<vmem>> -> memref<1x1x128xi32, #tpu.memory_space<vmem>>
      %dma_start3A_44 = tpu.memref_squeeze %dma_start3A_43 : memref<1x1x128xi32, #tpu.memory_space<vmem>> -> memref<128xi32, #tpu.memory_space<vmem>>
      %dma_start3A_45 = arith.constant 0 : i32
      %dma_start3A_46 = tpu.memref_slice %arg8[%dma_start3A_45] : memref<10240xf32, #tpu.memory_space<vmem_shared>> -> memref<10240xf32, #tpu.memory_space<vmem_shared>>
      tpu.enqueue_indirect_dma source(%arg7 : memref<128xf32, #tpu.memory_space<vmem>>) target(%dma_start3A_46 : memref<10240xf32, #tpu.memory_space<vmem_shared>>) offsets(%dma_start3A_44 : memref<128xi32, #tpu.memory_space<vmem>>) semaphore(%arg9 : memref<!tpu.dma_semaphore, #tpu.memory_space<semaphore_mem>>) {add = true}
    }
    %scan3A_7 = arith.constant 80 : i32
    %dma_wait3A = arith.constant 76 : i32
    %dma_wait3A_8 = arith.constant 0 : i32
    %dma_wait3A_9 = arith.constant 0 : i32
    %dma_wait3A_10 = tpu.memref_slice %arg6[%dma_wait3A, %dma_wait3A_8, %dma_wait3A_9] : memref<80x1x128xi32, #tpu.memory_space<vmem>> -> memref<1x1x128xi32, #tpu.memory_space<vmem>>
    %dma_wait3A_11 = tpu.memref_squeeze %dma_wait3A_10 : memref<1x1x128xi32, #tpu.memory_space<vmem>> -> memref<128xi32, #tpu.memory_space<vmem>>
    %dma_wait3A_12 = arith.constant 0 : i32
    %dma_wait3A_13 = tpu.memref_slice %arg8[%dma_wait3A_12] : memref<10240xf32, #tpu.memory_space<vmem_shared>> -> memref<10240xf32, #tpu.memory_space<vmem_shared>>
    tpu.wait_indirect_dma semaphore(%arg9 : memref<!tpu.dma_semaphore, #tpu.memory_space<semaphore_mem>>) src(%arg7 : memref<128xf32, #tpu.memory_space<vmem>>) dst(%dma_wait3A_13 : memref<10240xf32, #tpu.memory_space<vmem_shared>>)
    %dma_wait3A_14 = arith.constant 77 : i32
    %dma_wait3A_15 = arith.constant 0 : i32
    %dma_wait3A_16 = arith.constant 0 : i32
    %dma_wait3A_17 = tpu.memref_slice %arg6[%dma_wait3A_14, %dma_wait3A_15, %dma_wait3A_16] : memref<80x1x128xi32, #tpu.memory_space<vmem>> -> memref<1x1x128xi32, #tpu.memory_space<vmem>>
    %dma_wait3A_18 = tpu.memref_squeeze %dma_wait3A_17 : memref<1x1x128xi32, #tpu.memory_space<vmem>> -> memref<128xi32, #tpu.memory_space<vmem>>
    %dma_wait3A_19 = arith.constant 0 : i32
    %dma_wait3A_20 = tpu.memref_slice %arg8[%dma_wait3A_19] : memref<10240xf32, #tpu.memory_space<vmem_shared>> -> memref<10240xf32, #tpu.memory_space<vmem_shared>>
    tpu.wait_indirect_dma semaphore(%arg9 : memref<!tpu.dma_semaphore, #tpu.memory_space<semaphore_mem>>) src(%arg7 : memref<128xf32, #tpu.memory_space<vmem>>) dst(%dma_wait3A_20 : memref<10240xf32, #tpu.memory_space<vmem_shared>>)
    %dma_wait3A_21 = arith.constant 78 : i32
    %dma_wait3A_22 = arith.constant 0 : i32
    %dma_wait3A_23 = arith.constant 0 : i32
    %dma_wait3A_24 = tpu.memref_slice %arg6[%dma_wait3A_21, %dma_wait3A_22, %dma_wait3A_23] : memref<80x1x128xi32, #tpu.memory_space<vmem>> -> memref<1x1x128xi32, #tpu.memory_space<vmem>>
    %dma_wait3A_25 = tpu.memref_squeeze %dma_wait3A_24 : memref<1x1x128xi32, #tpu.memory_space<vmem>> -> memref<128xi32, #tpu.memory_space<vmem>>
    %dma_wait3A_26 = arith.constant 0 : i32
    %dma_wait3A_27 = tpu.memref_slice %arg8[%dma_wait3A_26] : memref<10240xf32, #tpu.memory_space<vmem_shared>> -> memref<10240xf32, #tpu.memory_space<vmem_shared>>
    tpu.wait_indirect_dma semaphore(%arg9 : memref<!tpu.dma_semaphore, #tpu.memory_space<semaphore_mem>>) src(%arg7 : memref<128xf32, #tpu.memory_space<vmem>>) dst(%dma_wait3A_27 : memref<10240xf32, #tpu.memory_space<vmem_shared>>)
    %dma_wait3A_28 = arith.constant 79 : i32
    %dma_wait3A_29 = arith.constant 0 : i32
    %dma_wait3A_30 = arith.constant 0 : i32
    %dma_wait3A_31 = tpu.memref_slice %arg6[%dma_wait3A_28, %dma_wait3A_29, %dma_wait3A_30] : memref<80x1x128xi32, #tpu.memory_space<vmem>> -> memref<1x1x128xi32, #tpu.memory_space<vmem>>
    %dma_wait3A_32 = tpu.memref_squeeze %dma_wait3A_31 : memref<1x1x128xi32, #tpu.memory_space<vmem>> -> memref<128xi32, #tpu.memory_space<vmem>>
    %dma_wait3A_33 = arith.constant 0 : i32
    %dma_wait3A_34 = tpu.memref_slice %arg8[%dma_wait3A_33] : memref<10240xf32, #tpu.memory_space<vmem_shared>> -> memref<10240xf32, #tpu.memory_space<vmem_shared>>
    tpu.wait_indirect_dma semaphore(%arg9 : memref<!tpu.dma_semaphore, #tpu.memory_space<semaphore_mem>>) src(%arg7 : memref<128xf32, #tpu.memory_space<vmem>>) dst(%dma_wait3A_34 : memref<10240xf32, #tpu.memory_space<vmem_shared>>)
    %barrier3A_35 = arith.constant 0 : index
    tpu.barrier barrier_id(%barrier3A_35)
    %mul3A_36 = arith.constant 10240 : i32
    %mul3A_37 = arith.muli %arg0, %mul3A_36 : i32
    %add3A_38 = arith.addi %mul3A_37, %mul3A_0 : i32
    "tpu.region"() ({
      %run_scoped3A = tpu.sem_alloc : memref<!tpu.dma_semaphore, #tpu.memory_space<semaphore_mem>>
      %dma_start3A = tpu.memref_slice %arg5[%add3A_38] : memref<20480xf32, #tpu.memory_space<hbm>> -> memref<640xf32, #tpu.memory_space<hbm>>
      %dma_start3A_39 = tpu.memref_slice %arg8[%mul3A_0] : memref<10240xf32, #tpu.memory_space<vmem_shared>> -> memref<640xf32, #tpu.memory_space<vmem_shared>>
      tpu.enqueue_dma source(%dma_start3A_39 : memref<640xf32, #tpu.memory_space<vmem_shared>>) target(%dma_start3A : memref<640xf32, #tpu.memory_space<hbm>>) target_semaphore(%run_scoped3A : memref<!tpu.dma_semaphore, #tpu.memory_space<semaphore_mem>>)
      %dma_wait3A_40 = tpu.memref_slice %arg5[%add3A_38] : memref<20480xf32, #tpu.memory_space<hbm>> -> memref<640xf32, #tpu.memory_space<hbm>>
      %dma_wait3A_41 = tpu.memref_slice %arg8[%mul3A_0] : memref<10240xf32, #tpu.memory_space<vmem_shared>> -> memref<640xf32, #tpu.memory_space<vmem_shared>>
      tpu.wait_dma2 semaphore(%run_scoped3A : memref<!tpu.dma_semaphore, #tpu.memory_space<semaphore_mem>>) src(%dma_wait3A_41 : memref<640xf32, #tpu.memory_space<vmem_shared>>) dst(%dma_wait3A_40 : memref<640xf32, #tpu.memory_space<hbm>>)
      tpu.yield
    }) : () -> ()
    return
  }
}

module attributes {stable_mosaic.version = 14 : i64} {
  func.func @body(%arg0: memref<10240x128xf32, #tpu.memory_space<vmem>>, %arg1: memref<128x128xf32, #tpu.memory_space<vmem>>, %arg2: memref<2x10240xf32, #tpu.memory_space<vmem>>, %arg3: memref<10240x128xf32, #tpu.memory_space<vmem>>) attributes {dimension_semantics = [], scalar_prefetch = 0 : i64, scratch_operands = 0 : i64, tpu.core_type = #tpu.core_type<tc>} {
    %get3A = arith.constant 0 : index
    %get3A_0 = arith.constant 0 : index
    %get3A_1 = vector.load %arg2[%get3A, %get3A_0] : memref<2x10240xf32, #tpu.memory_space<vmem>>, vector<1x10240xf32>
    %get3A_2 = vector.shape_cast %get3A_1 : vector<1x10240xf32> to vector<10240xf32>
    %get3A_3 = arith.constant 1 : index
    %get3A_4 = arith.constant 0 : index
    %get3A_5 = vector.load %arg2[%get3A_3, %get3A_4] : memref<2x10240xf32, #tpu.memory_space<vmem>>, vector<1x10240xf32>
    %get3A_6 = vector.shape_cast %get3A_5 : vector<1x10240xf32> to vector<10240xf32>
    %add3A = arith.addf %get3A_2, %get3A_6 : vector<10240xf32>
    %add3A_7 = arith.constant 1.000000e+00 : f32
    %add3A_8 = vector.broadcast %add3A_7 : f32 to vector<10240xf32>
    %add3A_9 = arith.addf %add3A, %add3A_8 : vector<10240xf32>
    %rsqrt3A = math.rsqrt %add3A_9 : vector<10240xf32>
    %get3A_10 = arith.constant 0 : index
    %get3A_11 = arith.constant 0 : index
    %get3A_12 = vector.load %arg0[%get3A_10, %get3A_11] : memref<10240x128xf32, #tpu.memory_space<vmem>>, vector<10240x128xf32>
    %get3A_13 = arith.constant 0 : index
    %get3A_14 = arith.constant 0 : index
    %get3A_15 = vector.load %arg1[%get3A_13, %get3A_14] : memref<128x128xf32, #tpu.memory_space<vmem>>, vector<128x128xf32>
    %dot_general3A = arith.constant dense<0.000000e+00> : vector<10240x128xf32>
    %dot_general3A_16 = tpu.matmul %get3A_12, %get3A_15, %dot_general3A {dimension_numbers = #tpu.dot_dimension_numbers<[1], [0], [0], [1], [0, 0, 1, 1], [], []>, transpose_lhs_hint = false} : vector<10240x128xf32>, vector<128x128xf32>, vector<10240x128xf32> -> vector<10240x128xf32>
    %broadcast_in_dim3A = vector.shape_cast %rsqrt3A : vector<10240xf32> to vector<10240x1xf32>
    %mul3A = vector.broadcast %broadcast_in_dim3A : vector<10240x1xf32> to vector<10240x128xf32>
    %mul3A_17 = arith.mulf %dot_general3A_16, %mul3A : vector<10240x128xf32>
    %swap3A = arith.constant 0 : index
    %swap3A_18 = arith.constant 0 : index
    %swap3A_19 = vector.load %arg3[%swap3A, %swap3A_18] : memref<10240x128xf32, #tpu.memory_space<vmem>>, vector<10240x128xf32>
    tpu.vector_store %arg3[%swap3A, %swap3A_18], %mul3A_17 {strides = array<i32>} : memref<10240x128xf32, #tpu.memory_space<vmem>>, vector<10240x128xf32>,
    return
  }
}

module attributes {stable_mosaic.version = 14 : i64} {
  func.func @body(%arg0: memref<2x10240x128xf32, #tpu.memory_space<vmem>>, %arg1: memref<10240x128xf32, #tpu.memory_space<vmem>>, %arg2: memref<2x10240xf32, #tpu.memory_space<vmem>>, %arg3: memref<1x128xf32, #tpu.memory_space<vmem>>, %arg4: memref<1x128xf32, #tpu.memory_space<vmem>>, %arg5: memref<1x128xf32, #tpu.memory_space<vmem>>, %arg6: memref<10000x128xf32, #tpu.memory_space<vmem>>) attributes {dimension_semantics = [], scalar_prefetch = 0 : i64, scratch_operands = 0 : i64, tpu.core_type = #tpu.core_type<tc>} {
    %get3A = arith.constant 0 : index
    %get3A_0 = arith.constant 0 : index
    %get3A_1 = vector.load %arg2[%get3A, %get3A_0] : memref<2x10240xf32, #tpu.memory_space<vmem>>, vector<1x10000xf32>
    %get3A_2 = vector.shape_cast %get3A_1 : vector<1x10000xf32> to vector<10000xf32>
    %get3A_3 = arith.constant 1 : index
    %get3A_4 = arith.constant 0 : index
    %get3A_5 = vector.load %arg2[%get3A_3, %get3A_4] : memref<2x10240xf32, #tpu.memory_space<vmem>>, vector<1x10000xf32>
    %get3A_6 = vector.shape_cast %get3A_5 : vector<1x10000xf32> to vector<10000xf32>
    %add3A = arith.addf %get3A_2, %get3A_6 : vector<10000xf32>
    %add3A_7 = arith.constant 1.000000e+00 : f32
    %add3A_8 = vector.broadcast %add3A_7 : f32 to vector<10000xf32>
    %add3A_9 = arith.addf %add3A, %add3A_8 : vector<10000xf32>
    %rsqrt3A = math.rsqrt %add3A_9 : vector<10000xf32>
    %get3A_10 = arith.constant 0 : index
    %get3A_11 = arith.constant 0 : index
    %get3A_12 = arith.constant 0 : index
    %get3A_13 = vector.load %arg0[%get3A_10, %get3A_11, %get3A_12] : memref<2x10240x128xf32, #tpu.memory_space<vmem>>, vector<1x10000x128xf32>
    %get3A_14 = vector.shape_cast %get3A_13 : vector<1x10000x128xf32> to vector<10000x128xf32>
    %get3A_15 = arith.constant 1 : index
    %get3A_16 = arith.constant 0 : index
    %get3A_17 = arith.constant 0 : index
    %get3A_18 = vector.load %arg0[%get3A_15, %get3A_16, %get3A_17] : memref<2x10240x128xf32, #tpu.memory_space<vmem>>, vector<1x10000x128xf32>
    %get3A_19 = vector.shape_cast %get3A_18 : vector<1x10000x128xf32> to vector<10000x128xf32>
    %add3A_20 = arith.addf %get3A_14, %get3A_19 : vector<10000x128xf32>
    %get3A_21 = arith.constant 0 : index
    %get3A_22 = arith.constant 0 : index
    %get3A_23 = vector.load %arg1[%get3A_21, %get3A_22] : memref<10240x128xf32, #tpu.memory_space<vmem>>, vector<10000x128xf32>
    %add3A_24 = arith.addf %add3A_20, %get3A_23 : vector<10000x128xf32>
    %broadcast_in_dim3A = vector.shape_cast %rsqrt3A : vector<10000xf32> to vector<10000x1xf32>
    %mul3A = vector.broadcast %broadcast_in_dim3A : vector<10000x1xf32> to vector<10000x128xf32>
    %mul3A_25 = arith.mulf %add3A_24, %mul3A : vector<10000x128xf32>
    %get3A_26 = arith.constant 0 : index
    %get3A_27 = arith.constant 0 : index
    %get3A_28 = vector.load %arg3[%get3A_26, %get3A_27] : memref<1x128xf32, #tpu.memory_space<vmem>>, vector<1x128xf32>
    %add3A_29 = vector.broadcast %get3A_28 : vector<1x128xf32> to vector<10000x128xf32>
    %add3A_30 = arith.addf %mul3A_25, %add3A_29 : vector<10000x128xf32>
    %reduce_sum3A = arith.constant dense<0.000000e+00> : vector<128xf32>
    %reduce_sum3A_31 = vector.multi_reduction <add>, %add3A_30, %reduce_sum3A [0] : vector<10000x128xf32> to vector<128xf32>
    %broadcast_in_dim3A_32 = vector.shape_cast %reduce_sum3A_31 : vector<128xf32> to vector<1x128xf32>
    %div3A = arith.constant 1.000000e+04 : f32
    %div3A_33 = vector.broadcast %div3A : f32 to vector<1x128xf32>
    %div3A_34 = arith.divf %broadcast_in_dim3A_32, %div3A_33 : vector<1x128xf32>
    %sub3A = vector.broadcast %div3A_34 : vector<1x128xf32> to vector<10000x128xf32>
    %sub3A_35 = arith.subf %add3A_30, %sub3A : vector<10000x128xf32>
    %integer_pow3A = arith.mulf %sub3A_35, %sub3A_35 : vector<10000x128xf32>
    %reduce_sum3A_36 = arith.constant dense<0.000000e+00> : vector<128xf32>
    %reduce_sum3A_37 = vector.multi_reduction <add>, %integer_pow3A, %reduce_sum3A_36 [0] : vector<10000x128xf32> to vector<128xf32>
    %broadcast_in_dim3A_38 = vector.shape_cast %reduce_sum3A_37 : vector<128xf32> to vector<1x128xf32>
    %div3A_39 = arith.constant 1.000000e+04 : f32
    %div3A_40 = vector.broadcast %div3A_39 : f32 to vector<1x128xf32>
    %div3A_41 = arith.divf %broadcast_in_dim3A_38, %div3A_40 : vector<1x128xf32>
    %sub3A_42 = vector.broadcast %div3A_34 : vector<1x128xf32> to vector<10000x128xf32>
    %sub3A_43 = arith.subf %add3A_30, %sub3A_42 : vector<10000x128xf32>
    %add3A_44 = arith.constant 9.99999974E-6 : f32
    %add3A_45 = vector.broadcast %add3A_44 : f32 to vector<1x128xf32>
    %add3A_46 = arith.addf %div3A_41, %add3A_45 : vector<1x128xf32>
    %rsqrt3A_47 = math.rsqrt %add3A_46 : vector<1x128xf32>
    %mul3A_48 = vector.broadcast %rsqrt3A_47 : vector<1x128xf32> to vector<10000x128xf32>
    %mul3A_49 = arith.mulf %sub3A_43, %mul3A_48 : vector<10000x128xf32>
    %get3A_50 = arith.constant 0 : index
    %get3A_51 = arith.constant 0 : index
    %get3A_52 = vector.load %arg4[%get3A_50, %get3A_51] : memref<1x128xf32, #tpu.memory_space<vmem>>, vector<1x128xf32>
    %mul3A_53 = vector.broadcast %get3A_52 : vector<1x128xf32> to vector<10000x128xf32>
    %mul3A_54 = arith.mulf %mul3A_49, %mul3A_53 : vector<10000x128xf32>
    %get3A_55 = arith.constant 0 : index
    %get3A_56 = arith.constant 0 : index
    %get3A_57 = vector.load %arg5[%get3A_55, %get3A_56] : memref<1x128xf32, #tpu.memory_space<vmem>>, vector<1x128xf32>
    %add3A_58 = vector.broadcast %get3A_57 : vector<1x128xf32> to vector<10000x128xf32>
    %add3A_59 = arith.addf %mul3A_54, %add3A_58 : vector<10000x128xf32>
    %max3A = arith.constant 0.000000e+00 : f32
    %max3A_60 = vector.broadcast %max3A : f32 to vector<10000x128xf32>
    %max3A_61 = arith.maximumf %add3A_59, %max3A_60 : vector<10000x128xf32>
    %swap3A = arith.constant 0 : index
    %swap3A_62 = arith.constant 0 : index
    %swap3A_63 = vector.load %arg6[%swap3A, %swap3A_62] : memref<10000x128xf32, #tpu.memory_space<vmem>>, vector<10000x128xf32>
    tpu.vector_store %arg6[%swap3A, %swap3A_62], %max3A_61 {strides = array<i32>} : memref<10000x128xf32, #tpu.memory_space<vmem>>, vector<10000x128xf32>,
    return
  }
}

</mosaic_0001>

<sc_bundles>
// kernel: kernel.6.cloned.1.call-start
scs
__scs_entry_jumppad:
0x0: {  	(pc) =	sbr.rel $0x88, $3  }
0x1: {  	(tag) =	ssettag $0x0;
	lr =	simm.s32 $0x1  }
0x2: {  	[smem:$0x3F9B] =	sst lr;
	_ =	strace $0xD0000000  }
0x3: {  	_ = 	snop  }
0x4: {  	_ = 	snop  }
0x5: {  	_ = 	snop  }
0x6: {  	_ = 	snop  }
0x7: {  	_ = 	snop  }
__scs_overlays_trampoline_lowered:
0x8: {  	[smem:$0x3FAA] =	sst s0  }
0x9: {  	[smem:$0x3FAB] =	sst s1  }
0xa: {  	[smem:$0x3FAC] =	sst s2  }
0xb: {  	[smem:$0x3FAD] =	sst s3  }
0xc: {  	[smem:$0x3FAE] =	sst s4  }
0xd: {  	[smem:$0x3FAF] =	sst s5  }
0xe: {  	[smem:$0x3FB0] =	sst s6  }
0xf: {  	[smem:$0x3FB1] =	sst s7  }
0x10: {  	[smem:$0x3FB2] =	sst s8  }
0x11: {  	[smem:$0x3FB3] =	sst s9;
	s0 =	simm.s32 @!p0 $0x0  }
0x12: {  	s1 =	sld [smem:$0x3F99];
	s0 =	simm.s32 @p0 $0x1  }
0x13: {  	[smem:$0x3FB4] =	sst s0;
	s0 =	simm.s32 @!p1 $0x0  }
0x14: {  	s2 =	sld [smem:$0x3F98];
	s0 =	simm.s32 @p1 $0x1  }
0x15: {  	[smem:$0x3FB5] =	sst s0;
	s0 =	simm.s32 @!p2 $0x0  }
0x16: {  	s3 =	sld [smem:$0x3FDB];
	s0 =	simm.s32 @p2 $0x1  }
0x17: {  	s4 =	simm.s32 $0x1BF5;
	[smem:$0x3FB7] =	sst s0  }
0x18: {  	s0 =	sld [smem:$0x3F9A];
	_ =	swait.ge [sflag:s4], $0x0  }
0x19: {  	s7 =	sld [smem:$0x3F9B]  }
0x1a: {  	s8 =	sadd.s32 $0xFFFFE003, lr  }
0x1b: {  	s9 =	sadd.s32 $0xFFFFFEF7, lr;
	s5 =	simm.s32 $0xFFFFFFFF;
	p2 =	slt.u32 s8, $0xFFFFF086  }
0x1c: {  	p1 =	slt.u32 s9, $0xF7A;
	s5 =	simm.s32 @!p2 $0x0  }
0x1d: {  	s5 =	simm.s32 @p1 $0x1;
	p0 =	seq.s32 s7, s2  }
0x1e: {  	s7 =	smul.u32 @!p0 $0xF7A, s2;
	p2 =	seq.s32 @!p0 s5, $0x0  }
0x1f: {  	s9 =	smul.u32 $0xF7A, s1;
	s8 =	simm.s32 @!p0 $0x1BF5;
	p2 =	por !p2, p0  }
0x20: {  	[sflag:s8] =	ssyncset.s32 @!p0 $0xFFFFF086;
	s6 =	sadd.s32 @!p0 s3, s7;
	s7 =	simm.s32 @!p0 $0x108  }
0x21: {  	s3 =	sadd.s32 s3, s9;
	s6 =	sadd.s32 @!p0 $0x88, s6;
	s7 =	simm.s32 @p2 $0x1082  }
0x22: {  	[simem:s7], [sflag:s8] =	dma.local @!p0 [hbm:s6], $0xF7A  }
0x23: {  	s9 =	sor.u32 $0xD0000000, s2;
	s6 =	simm.s32 $0x108;
	_ =	swait.ge @!p0 [sflag:s8], $0x0  }
0x24: {  	s3 =	sadd.s32 $0x88, s3;
	s6 =	simm.s32 @!p1 $0x1082;
	[sflag:s4] =	ssyncset.s32 $0xFFFFF086  }
0x25: {  	[simem:s6], [sflag:s4] =	dma.local [hbm:s3], $0xF7A  }
0x26: {  	[smem:$0x3F9B] =	sst s1;
	(tag) =	ssettag s2;
	_ =	strace s9  }
0x27: {  	s1 =	sld [smem:$0x3FAB]  }
0x28: {  	s2 =	sld [smem:$0x3FAC]  }
0x29: {  	s4 =	sld [smem:$0x3FAE]  }
0x2a: {  	p0 =	seq.s32 s5, $0x0;
	s5 =	sld [smem:$0x3FAF]  }
0x2b: {  	s6 =	sld [smem:$0x3FB0]  }
0x2c: {  	s7 =	sld [smem:$0x3FB1]  }
0x2d: {  	s3 =	simm.s32 $0x108;
	s8 =	sld [smem:$0x3FB2]  }
0x2e: {  	s3 =	simm.s32 @!p0 $0x1082;
	s9 =	sld [smem:$0x3FB3]  }
0x2f: {  	lr =	sadd.s32 s0, s3;
	s0 =	sld [smem:$0x3FAA]  }
0x30: {  	s3 =	sld [smem:$0x3FAD]  }
0x31: {  	[smem:$0x3FB6] =	sst s10  }
0x32: {  	s10 =	sld [smem:$0x3FB4];
	_ =	sdelay $0x3  }
0x33: {  	p0 =	seq.s32 s10, $0x1;
	s10 =	sld [smem:$0x3FB6];
	_ =	sdelay $0x3  }
0x34: {  	[smem:$0x3FB6] =	sst s10  }
0x35: {  	s10 =	sld [smem:$0x3FB5];
	_ =	sdelay $0x3  }
0x36: {  	p1 =	seq.s32 s10, $0x1;
	s10 =	sld [smem:$0x3FB6];
	_ =	sdelay $0x3  }
0x37: {  	[smem:$0x3FB6] =	sst s10  }
0x38: {  	s10 =	sld [smem:$0x3FB7]  }
0x39: {  	_ = 	snop;
	(pc) =	sbr.ind lr, $3  }
0x3a: {  	_ = 	snop  }
0x3b: {  	_ = 	snop  }
0x3c: {  	p2 =	seq.s32 s10, $0x1;
	s10 =	sld [smem:$0x3FB6]  }
0x3d: {  	_ =	shalt  }
0x3e: {  	_ =	shalt  }
0x3f: {  	_ =	shalt  }
0x40: {  	_ =	shalt  }
0x41: {  	_ =	shalt  }
0x42: {  	_ =	shalt  }
0x43: {  	_ =	shalt  }
0x44: {  	_ =	shalt  }
0x45: {  	_ =	shalt  }
0x46: {  	_ =	shalt  }
0x47: {  	_ =	shalt  }
0x48: {  	_ =	shalt  }
0x49: {  	_ =	shalt  }
0x4a: {  	_ =	shalt  }
0x4b: {  	_ =	shalt  }
0x4c: {  	_ =	shalt  }
0x4d: {  	_ =	shalt  }
0x4e: {  	_ =	shalt  }
0x4f: {  	_ =	shalt  }
0x50: {  	_ =	shalt  }
0x51: {  	_ =	shalt  }
0x52: {  	_ =	shalt  }
0x53: {  	_ =	shalt  }
0x54: {  	_ =	shalt  }
0x55: {  	_ =	shalt  }
0x56: {  	_ =	shalt  }
0x57: {  	_ =	shalt  }
0x58: {  	_ =	shalt  }
0x59: {  	_ =	shalt  }
0x5a: {  	_ =	shalt  }
0x5b: {  	_ =	shalt  }
0x5c: {  	_ =	shalt  }
0x5d: {  	_ =	shalt  }
0x5e: {  	_ =	shalt  }
0x5f: {  	_ =	shalt  }
0x60: {  	_ =	shalt  }
0x61: {  	_ =	shalt  }
0x62: {  	_ =	shalt  }
0x63: {  	_ =	shalt  }
0x64: {  	_ =	shalt  }
0x65: {  	_ =	shalt  }
0x66: {  	_ =	shalt  }
0x67: {  	_ =	shalt  }
0x68: {  	_ =	shalt  }
0x69: {  	_ =	shalt  }
0x6a: {  	_ =	shalt  }
0x6b: {  	_ =	shalt  }
0x6c: {  	_ =	shalt  }
0x6d: {  	_ =	shalt  }
0x6e: {  	_ =	shalt  }
0x6f: {  	_ =	shalt  }
0x70: {  	_ =	shalt  }
0x71: {  	_ =	shalt  }
0x72: {  	_ =	shalt  }
0x73: {  	_ =	shalt  }
0x74: {  	_ =	shalt  }
0x75: {  	_ =	shalt  }
0x76: {  	_ =	shalt  }
0x77: {  	_ =	shalt  }
0x78: {  	_ =	shalt  }
0x79: {  	_ =	shalt  }
0x7a: {  	_ =	shalt  }
0x7b: {  	_ =	shalt  }
0x7c: {  	_ =	shalt  }
0x7d: {  	_ =	shalt  }
0x7e: {  	_ =	shalt  }
0x7f: {  	_ =	shalt  }
0x80: {  	_ =	shalt  }
0x81: {  	_ =	shalt  }
0x82: {  	_ =	shalt  }
0x83: {  	_ =	shalt  }
0x84: {  	_ =	shalt  }
0x85: {  	_ =	shalt  }
0x86: {  	_ =	shalt  }
0x87: {  	_ =	shalt  }
.Lfunc_end0:
.L_simem_size_0:
called_computation_lowered:
.L_overlay_start_0:
0x88: {  	s2 =	sld [smem:$0x3FD9]  }
0x89: {  	s3 =	sld [smem:$0x3FFE];
	_ =	sdelay $0x1  }
0x8a: {  	s1 =	srdreg.scid  }
0x8b: {  	s0 =	sand.u32 $0x1, s1  }
0x8c: {  	s16 =	sshll.u32 s0, $0xA;
	s2 =	sadd.s32 s3, s2  }
0x8d: {  	s2 =	sadd.s32 s2, s16  }
0x8e: {  	[smem:$0x3FC2] =	sst s2  }
0x8f: {  	_ = 	snop  }
0x90: {  	(tm) =	ssettm $0x1  }
0x91: {  	s17 =	sld [smem:$0x3FFB];
	_ =	sdelay $0x3  }
0x92: {  	_ =	strace s17  }
0x93: {  	s2 =	sld [smem:$0x3FFC];
	_ =	sdelay $0x3  }
0x94: {  	_ =	strace s2  }
0x95: {  	s2 =	sld [smem:$0x3FFD];
	_ =	sdelay $0x3  }
0x96: {  	_ =	strace s2  }
0x97: {  	_ =	strace $0x8FFFFFFF  }
0x98: {  	s18 =	sld [smem:$0x3FDB];
	_ =	sdelay $0x1  }
0x99: {  	s19 =	simm.s32 $_scs_section_size  }
0x9a: {  	s4 =	simm.s32 $_size__tile_overlayer_lowered;
	s5 =	simm.s32 $_tile_overlayer_lowered  }
0x9b: {  	s22 =	simm.s32 $0x1BFF;
	s21 =	sshll.u32 s5, $0x1;
	s2 =	sadd.s32 s19, s18  }
0x9c: {  	s6 =	simm.s32 $0x0;
	s20 =	sshll.u32 s4, $0x1;
	s4 =	sadd.s32 s21, s2  }
0x9d: {  	[timem:s6], [sflag:s22] =	dma.local [hbm:s4], s20  }
0x9e: {  	_ =	swait.ge [sflag:s22], s20  }
0x9f: {  	s3 =	ssub.s32 $0x0, s20;
	[sflag:s22] =	ssyncset.done $0x0  }
0xa0: {  	[sflag:s22] =	ssyncadd.s32 s3;
	_ =	sdelay $0x1  }
0xa1: {  	s23 =	simm.s32 $0x1B8B  }
0xa2: {  	_ =	swait.ge [sflag:s23], $0x1  }
0xa3: {  	[sflag:s23] =	ssyncset.done $0x0  }
0xa4: {  	s25 =	simm.s32 $0x1B8E;
	s24 =	sld [smem:$0x3FFE];
	[sflag:s23] =	ssyncadd.s32 $0xFFFFFFFF  }
0xa5: {  	s26 =	simm.s32 $execute0_lowered;
	[smem:$0x3FD2] =	sst s25  }
0xa6: {  	s4 =	sshll.u32 s26, $0x1;
	_ =	strace $0x80000046;
	[dreg:$0x1] =	wrdreg $0xFFFFFFFF  }
0xa7: {  	s28 =	simm.s32 $_size_execute0_lowered;
	s2 =	sadd.s32 s2, s4;
	[dreg:$0x0] =	wrdreg $0x0  }
0xa8: {  	s4 =	sshll.u32 s28, $0x1;
	[dreg:$0x2] =	wrdreg s2  }
0xa9: {  	[dreg:$0x3] =	wrdreg s4  }
0xaa: {  	[dreg:$0x4] =	wrdreg $0xC0  }
0xab: {  	_ =	task [dreg:s6], $0x5FFFF  }
0xac: {  	[dreg:$0x1] =	wrdreg $0xFFFFFFFF  }
0xad: {  	[dreg:$0x0] =	wrdreg $0x60  }
0xae: {  	[dreg:$0x2] =	wrdreg s24  }
0xaf: {  	[dreg:$0x3] =	wrdreg $0x28800  }
0xb0: {  	[dreg:$0x4] =	wrdreg $0x9  }
0xb1: {  	_ =	task.clear_ibuf [dreg:s6], $0x5FFFF;
	_ =	strace $0x90000046  }
0xb2: {  	s29 =	simm.s32 $0x9;
	_ =	strace $0x80000048  }
0xb3: {  	_ =	swait.ge [sflag:s29], $0x1  }
0xb4: {  	[sflag:s29] =	ssyncadd.s32 $0xFFFFFFFF  }
0xb5: {  	_ =	strace $0x90000048  }
0xb6: {  	_ =	sfence  }
0xb7: {  	s30 =	sld [smem:$0x0];
	_ =	sdelay $0x2  }
0xb8: {  	s31 =	sshll.u32 s1, $0xD;
	s1 =	sshrl.u32 s1, $0x2  }
0xb9: {  	s3 =	sand.u32 $0x4000, s31;
	s1 =	sadd.s32 s1, s30  }
0xba: {  	s0 =	sor.u32 s3, s0;
	s1 =	sshll.u32 s1, $0x11  }
0xbb: {  	s0 =	sor.u32 s1, s0  }
0xbc: {  	s0 =	sadd.s32 $0x8F2B, s0  }
0xbd: {  	[sflag:s0] =	ssyncadd.remote.s32 $0x1  }
0xbe: {  	_ =	sfence.sel $0xFFFF  }
0xbf: {  	[dreg:$0x0] =	wrdreg $0xFFFFFFFF;
	(pc) =	sbr.abs _section_cstart, $3  }
0xc0: {  	[dreg:$0x1] =	wrdreg $0xFFFFFFFF  }
0xc1: {  	_ =	task.clear_ibuf [dreg:s6], $0x2FFFF;
	_ =	strace $0x9FFFFFFF  }
0xc2: {  	(tm) =	ssettm $0x7FFFFFFF  }
0xc3: {  	_ =	shalt  }
tec
execute0_lowered:
.L_overlay_start_1:
0x0: {  	(tag) =	ssettag $0x1  }
0x1: {  	s6 =	rddreg [dreg:$0x0]  }
0x2: {  	s0 =	srdreg.scid;
	s2 =	rddreg [dreg:$0x1];
	s3 =	simm.s32 $0x0  }
0x3: {  	s12 =	simm.s32 $0x2800;
	s13 =	simm.s32 $0x80;
	s14 =	simm.s32 $0x100  }
0x4: {  	s15 =	simm.s32 $0x180;
	s5 =	sand.u32 $0x1, s0;
	s0 =	stileid.u32  }
0x5: {  	s16 =	simm.s32 $0x1;
	s17 =	simm.s32 $0x0;
	s7 =	smul.u32 $0x280, s0  }
0x6: {  	[smem:$0x7FF] =	sst s3;
	s1 =	sshll.u32 s5, $0x4;
	s8 =	smul.u32 $0x2800, s5  }
0x7: {  	s10 =	ssub.s32 $0x2, s5;
	s5 =	sadd.s32 $0xC000, s6;
	s1 =	sor.u32 s0, s1  }
0x8: {  	s31 =	sshll.u32 s0, $0x6;
	s30 =	sshrl.u32 s10, $0x1;
	s4 =	smul.u32 $0x500, s1  }
0x9: {  	s1 =	rddreg [dreg:$0x2];
	_ =	strace $0x80000047;
	s8 =	sadd.s32 s7, s8  }
0xa: {  	s10 =	ssub.s32 s10, s30;
	s11 =	sadd.s32 s7, s2;
	s8 =	sshrl.u32 s8, $0x3  }
0xb: {  	s9 =	sadd.s32 s4, s6;
	s4 =	sadd.s32 $0xBE00, s6;
	s8 =	sadd.s32 s8, s6  }
0xc: {  	s6 =	sor.u32 $0x1C02, s31;
	s7 =	sadd.s32 $0x1E00, s9;
	s8 =	sadd.s32 $0xC200, s8  }
0xd: {  	s9 =	smax.u32 s10, $0x1;
	s10 =	sshrl.u32 s11, $0x3;
	s11 =	simm.s32 $0x2  }
.LBB2_1:
0xe: {  	[spmem:s10], [sflag:s6] =	dma.local [hbm:s5], $0x50  }
0xf: {  	_ =	swait.ge [sflag:s11], $0x50  }
0x10: {  	[sflag:s11] =	ssyncset.done $0x0  }
0x11: {  	[sflag:s11] =	ssyncadd.s32 $0xFFFFFFB0  }
0x12: {  	[tilespmem:s12], [sflag:$0x2] =	stream.linear.gather [hbm4b:s4+s3], $0x80, $0x38;
	[tilespmem:$0x2B00] =	vst v63  }
0x13: {  	_ =	swait.ge [sflag:s11], $0x80  }
0x14: {  	[sflag:s11] =	ssyncset.done $0x0  }
0x15: {  	[sflag:s11] =	ssyncadd.s32 $0xFFFFFF80  }
0x16: {  	[tilespmem:s3], [sflag:$0x2] =	stream.linear.gather [hbm4b:s7+s3], $0x2800, $0x38;
	[tilespmem:$0x2B00] =	vst v63  }
0x17: {  	_ =	swait.ge [sflag:s11], $0x2800  }
0x18: {  	[sflag:s11] =	ssyncset.done $0x0  }
0x19: {  	[sflag:s11] =	ssyncadd.s32 $0xFFFFD800  }
0x1a: {  	[bflag:$0x0] =	sbarrier.arrive $0xFFFF  }
0x1b: {  	[spmem:s2] =	stream.indirect.scatter.add.f32 [tilespmem:s12], [sflag:$0x1], $0x1, s3, s13, $0xb8;
	[tilespmem:$0x2B00] =	vst v63  }
0x1c: {  	_ = 	snop  }
0x1d: {  	[spmem:s2] =	stream.indirect.scatter.add.f32 [tilespmem:s12], [sflag:$0x1], $0x1, s13, s13, $0xb8;
	[tilespmem:$0x2B00] =	vst v63  }
0x1e: {  	_ = 	snop  }
0x1f: {  	[spmem:s2] =	stream.indirect.scatter.add.f32 [tilespmem:s12], [sflag:$0x1], $0x1, s14, s13, $0xb8;
	[tilespmem:$0x2B00] =	vst v63  }
0x20: {  	_ = 	snop  }
0x21: {  	[spmem:s2] =	stream.indirect.scatter.add.f32 [tilespmem:s12], [sflag:$0x1], $0x1, s15, s13, $0xb8;
	[tilespmem:$0x2B00] =	vst v63  }
0x22: {  	_ =	swait.ge [sflag:s16], $0x80  }
0x23: {  	[sflag:s16] =	ssyncset.done $0x0  }
0x24: {  	s18 =	simm.s32 $0xA00;
	s19 =	simm.s32 $0x200;
	[sflag:s16] =	ssyncadd.s32 $0xFFFFFF80  }
.LBB2_2:
0x25: {  	[spmem:s2] =	stream.indirect.scatter.add.f32 [tilespmem:s12], [sflag:$0x1], $0x1, s19, s13, $0xb8;
	[tilespmem:$0x2B00] =	vst v63  }
0x26: {  	s19 =	smov.u32 s18;
	p0 =	sne.s32 s18, $0x9E00  }
.Ltmp0:
0x27: {  	s18 =	sadd.s32 $0x200, s18;
	(pc) =	sbr.rel @p0 .LBB2_2-.Ltmp0, $4  }
0x28: {  	_ = 	snop  }
0x29: {  	_ =	swait.ge [sflag:s16], $0x80  }
0x2a: {  	[sflag:s16] =	ssyncset.done $0x0  }
0x2b: {  	s19 =	sshra.s32 s19, $0x2;
	[sflag:s16] =	ssyncadd.s32 $0xFFFFFF80  }
0x2c: {  	[spmem:s2] =	stream.indirect.scatter.add.f32 [tilespmem:s12], [sflag:$0x1], $0x1, s19, s13, $0xb8;
	[tilespmem:$0x2B00] =	vst v63  }
0x2d: {  	_ =	swait.ge [sflag:s16], $0x80  }
0x2e: {  	[sflag:s16] =	ssyncset.done $0x0  }
0x2f: {  	[sflag:s16] =	ssyncadd.s32 $0xFFFFFF80  }
0x30: {  	_ =	swait.ge [sflag:s16], $0x80  }
0x31: {  	[sflag:s16] =	ssyncset.done $0x0  }
0x32: {  	[sflag:s16] =	ssyncadd.s32 $0xFFFFFF80  }
0x33: {  	_ =	swait.ge [sflag:s16], $0x80  }
0x34: {  	[sflag:s16] =	ssyncset.done $0x0  }
0x35: {  	[sflag:s16] =	ssyncadd.s32 $0xFFFFFF80  }
0x36: {  	_ =	swait.ge [sflag:s16], $0x80  }
0x37: {  	s17 =	sadd.s32 $0x1, s17;
	[sflag:s16] =	ssyncset.done $0x0  }
0x38: {  	p0 =	sne.s32 s17, s9;
	[sflag:s16] =	ssyncadd.s32 $0xFFFFFF80  }
.Ltmp1:
0x39: {  	[bflag:$0x0] =	sbarrier.arrive $0xFFFF;
	(pc) =	sbr.rel @p0 .LBB2_1-.Ltmp1, $4  }
0x3a: {  	[hbm:s8], [sflag:s6] =	dma.local [spmem:s10], $0x50  }
0x3b: {  	_ =	swait.ge [sflag:s11], $0x50  }
0x3c: {  	[sflag:s11] =	ssyncset.done $0x0  }
0x3d: {  	[sflag:s11] =	ssyncadd.s32 $0xFFFFFFB0  }
0x3e: {  	_ =	sfence.sel $0x180000  }
0x3f: {  	[bflag:$0x0] =	sbarrier.arrive $0xFFFF  }
0x40: {  	p0 =	sne.s32 s0, $0x0;
	_ =	strace $0x90000047  }
0x41: {  	s0 =	sadd.s32 @!p0 $0x100000, s1;
	[bflag:$0x2] =	sbarrier.arrive $0xFFFF  }
0x42: {  	[sflag:s0] =	ssyncadd.tile.s32 @!p0 $0x1;
	_ =	shalt  }
.Lfunc_end2:
_tile_overlayer_lowered:
.L_overlay_start_2:
0x43: {  	(tag) =	ssettag $0x2  }
0x44: {  	s0 =	rddreg [dreg:$0x0];
	s2 =	stileid.u32  }
0x45: {  	s1 =	rddreg [dreg:$0x1];
	p0 =	sne.s32 s2, $0x0  }
0x46: {  	s3 =	rddreg [dreg:$0x2];
	[bflag:$0x3] =	sbarrier.arrive $0xFFFF;
	s2 =	simm.s32 @!p0 $0x1C02  }
0x47: {  	[timem:s3], [sflag:s2] =	dma.local @!p0 [hbm:s0], s1  }
0x48: {  	s0 =	simm.s32 @!p0 $0x2  }
0x49: {  	_ =	swait.ge @!p0 [sflag:s0], s1  }
0x4a: {  	s1 =	ssub.s32 @!p0 $0x0, s1;
	[sflag:s0] =	ssyncset.done @!p0 $0x0  }
0x4b: {  	[sflag:s0] =	ssyncadd.s32 @!p0 s1  }
0x4c: {  	[bflag:$0x3] =	sbarrier.arrive $0xFFFF  }
0x4d: {  	_ =	shalt  }

// kernel: kernel.9.cloned.1.call-start
scs
__scs_entry_jumppad:
0x0: {  	(pc) =	sbr.rel $0x88, $3  }
0x1: {  	(tag) =	ssettag $0x0;
	lr =	simm.s32 $0x1  }
0x2: {  	[smem:$0x3F9B] =	sst lr;
	_ =	strace $0xD0000000  }
0x3: {  	_ = 	snop  }
0x4: {  	_ = 	snop  }
0x5: {  	_ = 	snop  }
0x6: {  	_ = 	snop  }
0x7: {  	_ = 	snop  }
__scs_overlays_trampoline_lowered:
0x8: {  	[smem:$0x3FAA] =	sst s0  }
0x9: {  	[smem:$0x3FAB] =	sst s1  }
0xa: {  	[smem:$0x3FAC] =	sst s2  }
0xb: {  	[smem:$0x3FAD] =	sst s3  }
0xc: {  	[smem:$0x3FAE] =	sst s4  }
0xd: {  	[smem:$0x3FAF] =	sst s5  }
0xe: {  	[smem:$0x3FB0] =	sst s6  }
0xf: {  	[smem:$0x3FB1] =	sst s7  }
0x10: {  	[smem:$0x3FB2] =	sst s8  }
0x11: {  	[smem:$0x3FB3] =	sst s9;
	s0 =	simm.s32 @!p0 $0x0  }
0x12: {  	s1 =	sld [smem:$0x3F99];
	s0 =	simm.s32 @p0 $0x1  }
0x13: {  	[smem:$0x3FB4] =	sst s0;
	s0 =	simm.s32 @!p1 $0x0  }
0x14: {  	s2 =	sld [smem:$0x3F98];
	s0 =	simm.s32 @p1 $0x1  }
0x15: {  	[smem:$0x3FB5] =	sst s0;
	s0 =	simm.s32 @!p2 $0x0  }
0x16: {  	s3 =	sld [smem:$0x3FDB];
	s0 =	simm.s32 @p2 $0x1  }
0x17: {  	s4 =	simm.s32 $0x1BF5;
	[smem:$0x3FB7] =	sst s0  }
0x18: {  	s0 =	sld [smem:$0x3F9A];
	_ =	swait.ge [sflag:s4], $0x0  }
0x19: {  	s7 =	sld [smem:$0x3F9B]  }
0x1a: {  	s8 =	sadd.s32 $0xFFFFE003, lr  }
0x1b: {  	s9 =	sadd.s32 $0xFFFFFEF7, lr;
	s5 =	simm.s32 $0xFFFFFFFF;
	p2 =	slt.u32 s8, $0xFFFFF086  }
0x1c: {  	p1 =	slt.u32 s9, $0xF7A;
	s5 =	simm.s32 @!p2 $0x0  }
0x1d: {  	s5 =	simm.s32 @p1 $0x1;
	p0 =	seq.s32 s7, s2  }
0x1e: {  	s7 =	smul.u32 @!p0 $0xF7A, s2;
	p2 =	seq.s32 @!p0 s5, $0x0  }
0x1f: {  	s9 =	smul.u32 $0xF7A, s1;
	s8 =	simm.s32 @!p0 $0x1BF5;
	p2 =	por !p2, p0  }
0x20: {  	[sflag:s8] =	ssyncset.s32 @!p0 $0xFFFFF086;
	s6 =	sadd.s32 @!p0 s3, s7;
	s7 =	simm.s32 @!p0 $0x108  }
0x21: {  	s3 =	sadd.s32 s3, s9;
	s6 =	sadd.s32 @!p0 $0x88, s6;
	s7 =	simm.s32 @p2 $0x1082  }
0x22: {  	[simem:s7], [sflag:s8] =	dma.local @!p0 [hbm:s6], $0xF7A  }
0x23: {  	s9 =	sor.u32 $0xD0000000, s2;
	s6 =	simm.s32 $0x108;
	_ =	swait.ge @!p0 [sflag:s8], $0x0  }
0x24: {  	s3 =	sadd.s32 $0x88, s3;
	s6 =	simm.s32 @!p1 $0x1082;
	[sflag:s4] =	ssyncset.s32 $0xFFFFF086  }
0x25: {  	[simem:s6], [sflag:s4] =	dma.local [hbm:s3], $0xF7A  }
0x26: {  	[smem:$0x3F9B] =	sst s1;
	(tag) =	ssettag s2;
	_ =	strace s9  }
0x27: {  	s1 =	sld [smem:$0x3FAB]  }
0x28: {  	s2 =	sld [smem:$0x3FAC]  }
0x29: {  	s4 =	sld [smem:$0x3FAE]  }
0x2a: {  	p0 =	seq.s32 s5, $0x0;
	s5 =	sld [smem:$0x3FAF]  }
0x2b: {  	s6 =	sld [smem:$0x3FB0]  }
0x2c: {  	s7 =	sld [smem:$0x3FB1]  }
0x2d: {  	s3 =	simm.s32 $0x108;
	s8 =	sld [smem:$0x3FB2]  }
0x2e: {  	s3 =	simm.s32 @!p0 $0x1082;
	s9 =	sld [smem:$0x3FB3]  }
0x2f: {  	lr =	sadd.s32 s0, s3;
	s0 =	sld [smem:$0x3FAA]  }
0x30: {  	s3 =	sld [smem:$0x3FAD]  }
0x31: {  	[smem:$0x3FB6] =	sst s10  }
0x32: {  	s10 =	sld [smem:$0x3FB4];
	_ =	sdelay $0x3  }
0x33: {  	p0 =	seq.s32 s10, $0x1;
	s10 =	sld [smem:$0x3FB6];
	_ =	sdelay $0x3  }
0x34: {  	[smem:$0x3FB6] =	sst s10  }
0x35: {  	s10 =	sld [smem:$0x3FB5];
	_ =	sdelay $0x3  }
0x36: {  	p1 =	seq.s32 s10, $0x1;
	s10 =	sld [smem:$0x3FB6];
	_ =	sdelay $0x3  }
0x37: {  	[smem:$0x3FB6] =	sst s10  }
0x38: {  	s10 =	sld [smem:$0x3FB7]  }
0x39: {  	_ = 	snop;
	(pc) =	sbr.ind lr, $3  }
0x3a: {  	_ = 	snop  }
0x3b: {  	_ = 	snop  }
0x3c: {  	p2 =	seq.s32 s10, $0x1;
	s10 =	sld [smem:$0x3FB6]  }
0x3d: {  	_ =	shalt  }
0x3e: {  	_ =	shalt  }
0x3f: {  	_ =	shalt  }
0x40: {  	_ =	shalt  }
0x41: {  	_ =	shalt  }
0x42: {  	_ =	shalt  }
0x43: {  	_ =	shalt  }
0x44: {  	_ =	shalt  }
0x45: {  	_ =	shalt  }
0x46: {  	_ =	shalt  }
0x47: {  	_ =	shalt  }
0x48: {  	_ =	shalt  }
0x49: {  	_ =	shalt  }
0x4a: {  	_ =	shalt  }
0x4b: {  	_ =	shalt  }
0x4c: {  	_ =	shalt  }
0x4d: {  	_ =	shalt  }
0x4e: {  	_ =	shalt  }
0x4f: {  	_ =	shalt  }
0x50: {  	_ =	shalt  }
0x51: {  	_ =	shalt  }
0x52: {  	_ =	shalt  }
0x53: {  	_ =	shalt  }
0x54: {  	_ =	shalt  }
0x55: {  	_ =	shalt  }
0x56: {  	_ =	shalt  }
0x57: {  	_ =	shalt  }
0x58: {  	_ =	shalt  }
0x59: {  	_ =	shalt  }
0x5a: {  	_ =	shalt  }
0x5b: {  	_ =	shalt  }
0x5c: {  	_ =	shalt  }
0x5d: {  	_ =	shalt  }
0x5e: {  	_ =	shalt  }
0x5f: {  	_ =	shalt  }
0x60: {  	_ =	shalt  }
0x61: {  	_ =	shalt  }
0x62: {  	_ =	shalt  }
0x63: {  	_ =	shalt  }
0x64: {  	_ =	shalt  }
0x65: {  	_ =	shalt  }
0x66: {  	_ =	shalt  }
0x67: {  	_ =	shalt  }
0x68: {  	_ =	shalt  }
0x69: {  	_ =	shalt  }
0x6a: {  	_ =	shalt  }
0x6b: {  	_ =	shalt  }
0x6c: {  	_ =	shalt  }
0x6d: {  	_ =	shalt  }
0x6e: {  	_ =	shalt  }
0x6f: {  	_ =	shalt  }
0x70: {  	_ =	shalt  }
0x71: {  	_ =	shalt  }
0x72: {  	_ =	shalt  }
0x73: {  	_ =	shalt  }
0x74: {  	_ =	shalt  }
0x75: {  	_ =	shalt  }
0x76: {  	_ =	shalt  }
0x77: {  	_ =	shalt  }
0x78: {  	_ =	shalt  }
0x79: {  	_ =	shalt  }
0x7a: {  	_ =	shalt  }
0x7b: {  	_ =	shalt  }
0x7c: {  	_ =	shalt  }
0x7d: {  	_ =	shalt  }
0x7e: {  	_ =	shalt  }
0x7f: {  	_ =	shalt  }
0x80: {  	_ =	shalt  }
0x81: {  	_ =	shalt  }
0x82: {  	_ =	shalt  }
0x83: {  	_ =	shalt  }
0x84: {  	_ =	shalt  }
0x85: {  	_ =	shalt  }
0x86: {  	_ =	shalt  }
0x87: {  	_ =	shalt  }
.Lfunc_end0:
.L_simem_size_0:
called_computation.1_lowered:
.L_overlay_start_0:
0x88: {  	s2 =	sld [smem:$0x3FD9]  }
0x89: {  	s3 =	sld [smem:$0x3FFE];
	_ =	sdelay $0x1  }
0x8a: {  	s1 =	srdreg.scid  }
0x8b: {  	s0 =	sand.u32 $0x1, s1  }
0x8c: {  	s17 =	sshll.u32 s0, $0xA;
	s2 =	sadd.s32 s3, s2  }
0x8d: {  	s2 =	sadd.s32 s2, s17  }
0x8e: {  	[smem:$0x3FC2] =	sst s2  }
0x8f: {  	_ = 	snop  }
0x90: {  	s2 =	sld [smem:$0x3FD0];
	(tm) =	ssettm $0x1  }
0x91: {  	s18 =	sld [smem:$0x3FFB];
	_ =	sdelay $0x3  }
0x92: {  	_ =	strace s18  }
0x93: {  	s3 =	sld [smem:$0x3FFC];
	_ =	sdelay $0x3  }
0x94: {  	_ =	strace s3  }
0x95: {  	s3 =	sld [smem:$0x3FFD];
	_ =	sdelay $0x3  }
0x96: {  	_ =	strace s3  }
0x97: {  	_ =	strace $0x8FFFFFFF  }
0x98: {  	s19 =	sld [smem:$0x3FDB];
	_ =	sdelay $0x1  }
0x99: {  	s4 =	simm.s32 $_scs_section_size  }
0x9a: {  	s5 =	simm.s32 $_size__tile_overlayer_lowered;
	s6 =	simm.s32 $_tile_overlayer_lowered  }
0x9b: {  	s22 =	simm.s32 $0x1BFF;
	s21 =	sshll.u32 s6, $0x1;
	s3 =	sadd.s32 s4, s19  }
0x9c: {  	s7 =	simm.s32 $0x0;
	s20 =	sshll.u32 s5, $0x1;
	s5 =	sadd.s32 s21, s3  }
0x9d: {  	[timem:s7], [sflag:s22] =	dma.local [hbm:s5], s20  }
0x9e: {  	_ =	swait.ge [sflag:s22], s20  }
0x9f: {  	s4 =	ssub.s32 $0x0, s20;
	[sflag:s22] =	ssyncset.done $0x0  }
0xa0: {  	[sflag:s22] =	ssyncadd.s32 s4;
	_ =	sdelay $0x1  }
0xa1: {  	s23 =	simm.s32 $0x1B8B  }
0xa2: {  	_ =	swait.ge [sflag:s23], $0x1  }
0xa3: {  	[sflag:s23] =	ssyncset.done $0x0  }
0xa4: {  	s25 =	simm.s32 $0x1B8E;
	s24 =	sld [smem:$0x3FFE];
	[sflag:s23] =	ssyncadd.s32 $0xFFFFFFFF  }
0xa5: {  	s26 =	simm.s32 $execute0_lowered;
	[smem:$0x3FD2] =	sst s25  }
0xa6: {  	s5 =	sshll.u32 s26, $0x1;
	_ =	strace $0x80000049;
	[dreg:$0x1] =	wrdreg $0xFFFFFFFF  }
0xa7: {  	s28 =	simm.s32 $_size_execute0_lowered;
	s3 =	sadd.s32 s3, s5;
	[dreg:$0x0] =	wrdreg $0x0  }
0xa8: {  	s5 =	sshll.u32 s28, $0x1;
	[dreg:$0x2] =	wrdreg s3  }
0xa9: {  	[dreg:$0x3] =	wrdreg s5  }
0xaa: {  	[dreg:$0x4] =	wrdreg $0xC0  }
0xab: {  	_ =	task [dreg:s7], $0x5FFFF  }
0xac: {  	[dreg:$0x1] =	wrdreg $0xFFFFFFFF  }
0xad: {  	[dreg:$0x0] =	wrdreg $0x60  }
0xae: {  	[dreg:$0x2] =	wrdreg s2  }
0xaf: {  	[dreg:$0x3] =	wrdreg s24  }
0xb0: {  	[dreg:$0x4] =	wrdreg $0x84000  }
0xb1: {  	[dreg:$0x5] =	wrdreg $0x9  }
0xb2: {  	_ =	task.clear_ibuf [dreg:s7], $0x6FFFF;
	_ =	strace $0x90000049  }
0xb3: {  	s29 =	simm.s32 $0x9;
	_ =	strace $0x8000004B  }
0xb4: {  	_ =	swait.ge [sflag:s29], $0x1  }
0xb5: {  	[sflag:s29] =	ssyncadd.s32 $0xFFFFFFFF  }
0xb6: {  	_ =	strace $0x9000004B  }
0xb7: {  	_ =	sfence  }
0xb8: {  	s30 =	sld [smem:$0x0];
	_ =	sdelay $0x2  }
0xb9: {  	s31 =	sshll.u32 s1, $0xD;
	s1 =	sshrl.u32 s1, $0x2  }
0xba: {  	s3 =	sand.u32 $0x4000, s31;
	s1 =	sadd.s32 s1, s30  }
0xbb: {  	s0 =	sor.u32 s3, s0;
	s1 =	sshll.u32 s1, $0x11  }
0xbc: {  	s0 =	sor.u32 s1, s0  }
0xbd: {  	s0 =	sadd.s32 $0x8F2B, s0  }
0xbe: {  	[sflag:s0] =	ssyncadd.remote.s32 $0x1  }
0xbf: {  	_ =	sfence.sel $0xFFFF  }
0xc0: {  	[dreg:$0x0] =	wrdreg $0xFFFFFFFF;
	(pc) =	sbr.abs _section_cstart, $3  }
0xc1: {  	[dreg:$0x1] =	wrdreg $0xFFFFFFFF  }
0xc2: {  	_ =	task.clear_ibuf [dreg:s7], $0x2FFFF;
	_ =	strace $0x9FFFFFFF  }
0xc3: {  	(tm) =	ssettm $0x7FFFFFFF  }
tec
execute0_lowered:
.L_overlay_start_1:
0x0: {  	(tag) =	ssettag $0x1  }
0x1: {  	s0 =	rddreg [dreg:$0x0]  }
0x2: {  	s1 =	rddreg [dreg:$0x1]  }
0x3: {  	s9 =	rddreg [dreg:$0x2]  }
0x4: {  	s2 =	simm.s32 $0x0;
	s3 =	srdreg.scid;
	s23 =	stileid.u32  }
0x5: {  	s26 =	simm.s32 $0x4400;
	s30 =	simm.s32 $0x300;
	s31 =	simm.s32 $0x380  }
0x6: {  	s28 =	simm.s32 $0x2;
	s29 =	simm.s32 $0x0;
	[smem:$0x7FF] =	sst s2  }
0x7: {  	s6 =	sand.u32 $0x1, s3;
	s19 =	sadd.s32 $0x1E00, s1;
	s5 =	smul.u32 $0x50000, s23  }
0x8: {  	s3 =	sadd.s32 $0xBE00, s1;
	_ =	strace $0x8000004A;
	[dreg:$0x8] =	wrdreg s26  }
0x9: {  	p0 =	sne.s32 s23, $0x0;
	s4 =	smul.u32 $0x28000, s6;
	[dreg:$0x9] =	wrdreg s30  }
0xa: {  	s10 =	sshll.u32 s6, $0x4;
	s7 =	ssub.s32 $0x2, s6;
	[dreg:$0xa] =	wrdreg s31  }
0xb: {  	s26 =	simm.s32 $0x1;
	s8 =	sor.u32 s23, s10;
	s11 =	sshrl.u32 s5, $0x2  }
0xc: {  	s12 =	sshrl.u32 s7, $0x1;
	s1 =	sadd.s32 s4, s1;
	s4 =	sadd.s32 s11, s9  }
0xd: {  	s13 =	smul.u32 $0x500, s8;
	s16 =	ssub.s32 s7, s12;
	s14 =	sadd.s32 $0x4000, s4  }
0xe: {  	s12 =	smul.u32 $0x500, s6;
	s15 =	sadd.s32 $0x8000, s4;
	[dreg:$0xb] =	wrdreg s14  }
0xf: {  	s17 =	sadd.s32 $0xC000, s4;
	s18 =	sadd.s32 $0x10000, s4;
	[dreg:$0xc] =	wrdreg s15  }
0x10: {  	s16 =	smax.u32 s16, $0x1;
	[dreg:$0xd] =	wrdreg s17;
	s14 =	smul.u32 $0x50, s23  }
0x11: {  	[dreg:$0xe] =	wrdreg s18;
	s20 =	sadd.s32 s0, s13;
	s15 =	sor.u32 $0x10, s13  }
0x12: {  	s10 =	sadd.s32 s19, s13;
	s21 =	sor.u32 $0x20, s13;
	[dreg:$0xf] =	wrdreg s20  }
0x13: {  	s11 =	sadd.s32 s0, s15;
	s13 =	sadd.s32 s0, s21;
	s14 =	sadd.s32 s14, s12  }
0x14: {  	s12 =	sadd.s32 s19, s15;
	s15 =	sadd.s32 $0x33E00, s1;
	s18 =	sshll.u32 s14, $0x4  }
0x15: {  	s14 =	sadd.s32 s19, s21;
	s21 =	simm.s32 $0x80;
	s17 =	sor.u32 $0x60, s18  }
0x16: {  	s20 =	sor.u32 $0x40, s18;
	s22 =	sadd.s32 s17, s0;
	s24 =	sadd.s32 s17, s19  }
0x17: {  	s17 =	sadd.s32 s18, s0;
	s0 =	sadd.s32 s20, s0;
	[dreg:$0x4] =	wrdreg s22  }
0x18: {  	s18 =	sadd.s32 s18, s19;
	s25 =	sadd.s32 s20, s19;
	[dreg:$0x5] =	wrdreg s24  }
0x19: {  	s19 =	simm.s32 $0x400;
	s20 =	simm.s32 $0x3;
	[dreg:$0x6] =	wrdreg s0  }
0x1a: {  	v0 =	vimm.f32 $0.0e+00;
	[dreg:$0x7] =	wrdreg s25;
	s22 =	simm.s32 $0x100;
	s24 =	simm.s32 $0x200  }
.LBB2_1:
0x1b: {  	s0 =	simm.s32 $0x0;
	s1 =	simm.s32 $0x200  }
.LBB2_2:
0x1c: {  	p1 =	sne.s32 s1, $0xFE00;
	[tilespmem:s0+$0x470] =	vst v0  }
0x1d: {  	[tilespmem:s0+$0x400] =	vst v0  }
0x1e: {  	[tilespmem:s0+$0x410] =	vst v0  }
.Ltmp0:
0x1f: {  	[tilespmem:s0+$0x420] =	vst v0;
	(pc) =	sbr.rel @p1 .LBB2_2-.Ltmp0, $4  }
0x20: {  	[tilespmem:s0+$0x430] =	vst v0  }
0x21: {  	[tilespmem:s0+$0x440] =	vst v0  }
0x22: {  	[tilespmem:s0+$0x450] =	vst v0  }
0x23: {  	[tilespmem:s0+$0x460] =	vst v0;
	s0 =	sshra.s32 s1, $0x2;
	s1 =	sadd.s32 $0x200, s1  }
0x24: {  	[tilespmem:s0+$0x470] =	vst v0  }
0x25: {  	[tilespmem:s0+$0x400] =	vst v0  }
0x26: {  	[tilespmem:s0+$0x410] =	vst v0  }
0x27: {  	[tilespmem:s0+$0x420] =	vst v0  }
0x28: {  	[tilespmem:s0+$0x430] =	vst v0  }
0x29: {  	[tilespmem:s0+$0x440] =	vst v0  }
0x2a: {  	[tilespmem:s0+$0x450] =	vst v0  }
0x2b: {  	[tilespmem:s0+$0x460] =	vst v0  }
0x2c: {  	[spmem:s4] =	stream.linear.scatter [tilespmem:s19], [sflag:$0x3], $0x4000, $0x38;
	[tilespmem:$0x1C400] =	vst v63  }
0x2d: {  	_ =	swait.ge [sflag:s20], $0x4000  }
0x2e: {  	[sflag:s20] =	ssyncset.done $0x0  }
0x2f: {  	s8 =	rddreg [dreg:$0xb];
	[sflag:s20] =	ssyncadd.s32 $0xFFFFC000  }
0x30: {  	[spmem:s8] =	stream.linear.scatter [tilespmem:s19], [sflag:$0x3], $0x4000, $0x38;
	[tilespmem:$0x1C400] =	vst v63  }
0x31: {  	_ =	swait.ge [sflag:s20], $0x4000  }
0x32: {  	[sflag:s20] =	ssyncset.done $0x0  }
0x33: {  	s9 =	rddreg [dreg:$0xc];
	[sflag:s20] =	ssyncadd.s32 $0xFFFFC000  }
0x34: {  	[spmem:s9] =	stream.linear.scatter [tilespmem:s19], [sflag:$0x3], $0x4000, $0x38;
	[tilespmem:$0x1C400] =	vst v63  }
0x35: {  	_ =	swait.ge [sflag:s20], $0x4000  }
0x36: {  	[sflag:s20] =	ssyncset.done $0x0  }
0x37: {  	s23 =	rddreg [dreg:$0xd];
	[sflag:s20] =	ssyncadd.s32 $0xFFFFC000  }
0x38: {  	[spmem:s23] =	stream.linear.scatter [tilespmem:s19], [sflag:$0x3], $0x4000, $0x38;
	[tilespmem:$0x1C400] =	vst v63  }
0x39: {  	_ =	swait.ge [sflag:s20], $0x4000  }
0x3a: {  	[sflag:s20] =	ssyncset.done $0x0  }
0x3b: {  	s25 =	rddreg [dreg:$0xe];
	[sflag:s20] =	ssyncadd.s32 $0xFFFFC000  }
0x3c: {  	[spmem:s25] =	stream.linear.scatter [tilespmem:s19], [sflag:$0x3], $0x4000, $0x38;
	[tilespmem:$0x1C400] =	vst v63  }
0x3d: {  	_ =	swait.ge [sflag:s20], $0x4000  }
0x3e: {  	[sflag:s20] =	ssyncset.done $0x0  }
0x3f: {  	[sflag:s20] =	ssyncadd.s32 $0xFFFFC000  }
0x40: {  	[bflag:$0x0] =	sbarrier.arrive $0xFFFF  }
0x41: {  	s31 =	simm.s32 $0x0;
	s1 =	rddreg [dreg:$0xf]  }
0x42: {  	[tilespmem:s31], [sflag:$0x1] =	stream.linear.gather [hbm4b:s1+s31], $0x80, $0x38;
	[tilespmem:$0x1C400] =	vst v63  }
0x43: {  	_ = 	snop  }
0x44: {  	[tilespmem:s21], [sflag:$0x1] =	stream.linear.gather [hbm4b:s10+s31], $0x80, $0x38;
	[tilespmem:$0x1C400] =	vst v63  }
0x45: {  	_ = 	snop  }
0x46: {  	[tilespmem:s22], [sflag:$0x1] =	stream.linear.gather [hbm4b:s11+s31], $0x80, $0x38;
	[tilespmem:$0x1C400] =	vst v63  }
0x47: {  	s5 =	simm.s32 $0x180  }
0x48: {  	[tilespmem:s5], [sflag:$0x1] =	stream.linear.gather [hbm4b:s12+s31], $0x80, $0x38;
	[tilespmem:$0x1C400] =	vst v63  }
0x49: {  	_ = 	snop  }
0x4a: {  	[tilespmem:s24], [sflag:$0x1] =	stream.linear.gather [hbm4b:s13+s31], $0x80, $0x38;
	[tilespmem:$0x1C400] =	vst v63  }
0x4b: {  	s6 =	simm.s32 $0x280  }
0x4c: {  	[tilespmem:s6], [sflag:$0x1] =	stream.linear.gather [hbm4b:s14+s31], $0x80, $0x38;
	[tilespmem:$0x1C400] =	vst v63  }
0x4d: {  	_ =	swait.ge [sflag:s26], $0x80  }
0x4e: {  	[sflag:s26] =	ssyncset.done $0x0  }
0x4f: {  	[sflag:s26] =	ssyncadd.s32 $0xFFFFFF80  }
0x50: {  	_ =	swait.ge [sflag:s26], $0x80  }
0x51: {  	[sflag:s26] =	ssyncset.done $0x0  }
0x52: {  	[sflag:s26] =	ssyncadd.s32 $0xFFFFFF80  }
0x53: {  	[tilespmem:s19], [sflag:$0x2] =	stream.indirect.gather [hbm4b:s3+s21], $0x80, s31, s21, $0xb8;
	[tilespmem:$0x1C400] =	vst v63  }
0x54: {  	_ =	swait.ge [sflag:s26], $0x80  }
0x55: {  	[sflag:s26] =	ssyncset.done $0x0  }
0x56: {  	[sflag:s26] =	ssyncadd.s32 $0xFFFFFF80  }
0x57: {  	_ =	swait.ge [sflag:s26], $0x80  }
0x58: {  	[sflag:s26] =	ssyncset.done $0x0  }
0x59: {  	s8 =	sadd.s32 $0x0, s17;
	s7 =	rddreg [dreg:$0x8];
	[sflag:s26] =	ssyncadd.s32 $0xFFFFFF80  }
0x5a: {  	[tilespmem:s7], [sflag:$0x2] =	stream.indirect.gather [hbm4b:s3+s21], $0x80, s22, s21, $0xb8;
	[tilespmem:$0x1C400] =	vst v63  }
0x5b: {  	s9 =	sadd.s32 $0x30, s8;
	s25 =	sadd.s32 $0x0, s18;
	s23 =	rddreg [dreg:$0x9]  }
0x5c: {  	[tilespmem:s23], [sflag:$0x1] =	stream.linear.gather [hbm4b:s9+s2], $0x80, $0x38;
	[tilespmem:$0x1C400] =	vst v63  }
0x5d: {  	s31 =	sadd.s32 $0x30, s25;
	s30 =	rddreg [dreg:$0xa]  }
0x5e: {  	[tilespmem:s30], [sflag:$0x1] =	stream.linear.gather [hbm4b:s31+s2], $0x80, $0x38;
	[tilespmem:$0x1C400] =	vst v63  }
0x5f: {  	_ =	swait.ge [sflag:s28], $0x4000  }
0x60: {  	[sflag:s28] =	ssyncset.done $0x0  }
0x61: {  	[sflag:s28] =	ssyncadd.s32 $0xFFFFC000  }
0x62: {  	_ =	swait.ge [sflag:s26], $0x80  }
0x63: {  	[sflag:s26] =	ssyncset.done $0x0  }
0x64: {  	[sflag:s26] =	ssyncadd.s32 $0xFFFFFF80  }
0x65: {  	_ =	swait.ge [sflag:s26], $0x80  }
0x66: {  	p1 =	por $0x0, $0x0;
	[sflag:s26] =	ssyncset.done $0x0  }
0x67: {  	s0 =	simm.s32 @p1 $0x2;
	[sflag:s26] =	ssyncadd.s32 $0xFFFFFF80  }
0x68: {  	[tilespmem:s19], [sflag:$0x2] =	stream.indirect.gather [hbm4b:s3+s21], $0x80, s24, s21, $0xb8;
	[tilespmem:$0x1C400] =	vst v63  }
0x69: {  	_ =	swait.ge @p1 [sflag:s0], $0x4000  }
0x6a: {  	[sflag:s0] =	ssyncset.done @p1 $0x0  }
0x6b: {  	s1 =	simm.s32 @p1 $0x1;
	[sflag:s0] =	ssyncadd.s32 @p1 $0xFFFFC000  }
0x6c: {  	_ =	swait.ge @p1 [sflag:s1], $0x80  }
0x6d: {  	[sflag:s1] =	ssyncset.done @p1 $0x0  }
0x6e: {  	[sflag:s1] =	ssyncadd.s32 @p1 $0xFFFFFF80  }
0x6f: {  	_ =	swait.ge @p1 [sflag:s1], $0x80  }
0x70: {  	s23 =	simm.s32 @p1 $0x4400;
	[sflag:s1] =	ssyncset.done @p1 $0x0  }
0x71: {  	s30 =	simm.s32 @p1 $0x80;
	s31 =	simm.s32 @p1 $0x300;
	[sflag:s1] =	ssyncadd.s32 @p1 $0xFFFFFF80  }
0x72: {  	[tilespmem:s23], [sflag:$0x2] =	stream.indirect.gather @p1 [hbm4b:s3+s30], $0x80, s31, s30, $0xb8;
	[tilespmem:$0x1C400] =	vst v63  }
0x73: {  	_ =	swait.ge @p1 [sflag:s0], $0x4000  }
0x74: {  	s1 =	rddreg [dreg:$0x6]  }
0x75: {  	[sflag:s0] =	ssyncset.done @p1 $0x0;
	s23 =	rddreg [dreg:$0x7]  }
0x76: {  	[sflag:s0] =	ssyncadd.s32 @p1 $0xFFFFC000;
	s0 =	sadd.s32 @!p1 $0x0, s1;
	s1 =	simm.s32 @!p1 $0x0  }
0x77: {  	[tilespmem:s1], [sflag:$0x1] =	stream.linear.gather @!p1 [hbm4b:s0+s1], $0x80, $0x38;
	[tilespmem:$0x1C400] =	vst v63  }
0x78: {  	s30 =	simm.s32 @!p1 $0x2;
	s23 =	sadd.s32 @!p1 $0x0, s23;
	s0 =	simm.s32 @!p1 $0x80  }
0x79: {  	[tilespmem:s0], [sflag:$0x1] =	stream.linear.gather @!p1 [hbm4b:s23+s1], $0x80, $0x38;
	[tilespmem:$0x1C400] =	vst v63  }
0x7a: {  	_ =	swait.ge @!p1 [sflag:s30], $0x4000  }
0x7b: {  	[sflag:s30] =	ssyncset.done @!p1 $0x0  }
0x7c: {  	s23 =	simm.s32 @!p1 $0x1;
	[sflag:s30] =	ssyncadd.s32 @!p1 $0xFFFFC000  }
0x7d: {  	_ =	swait.ge @!p1 [sflag:s23], $0x80  }
0x7e: {  	[sflag:s23] =	ssyncset.done @!p1 $0x0  }
0x7f: {  	[sflag:s23] =	ssyncadd.s32 @!p1 $0xFFFFFF80  }
0x80: {  	_ =	swait.ge @!p1 [sflag:s23], $0x80  }
0x81: {  	[sflag:s23] =	ssyncset.done @!p1 $0x0  }
0x82: {  	s25 =	simm.s32 @!p1 $0x4400;
	s31 =	simm.s32 @!p1 $0x300;
	[sflag:s23] =	ssyncadd.s32 @!p1 $0xFFFFFF80  }
0x83: {  	[tilespmem:s25], [sflag:$0x2] =	stream.indirect.gather @!p1 [hbm4b:s3+s0], $0x80, s31, s0, $0xb8;
	[tilespmem:$0x1C400] =	vst v63  }
0x84: {  	s25 =	sadd.s32 @!p1 $0x0, s17  }
0x85: {  	s31 =	simm.s32 @!p1 $0x100;
	s25 =	sadd.s32 @!p1 $0x50, s25  }
0x86: {  	[tilespmem:s31], [sflag:$0x1] =	stream.linear.gather @!p1 [hbm4b:s25+s1], $0x80, $0x38;
	[tilespmem:$0x1C400] =	vst v63  }
0x87: {  	s25 =	sadd.s32 @!p1 $0x0, s18  }
0x88: {  	s31 =	simm.s32 @!p1 $0x180;
	s25 =	sadd.s32 @!p1 $0x50, s25  }
0x89: {  	[tilespmem:s31], [sflag:$0x1] =	stream.linear.gather @!p1 [hbm4b:s25+s1], $0x80, $0x38;
	[tilespmem:$0x1C400] =	vst v63  }
0x8a: {  	_ =	swait.ge @!p1 [sflag:s30], $0x4000  }
0x8b: {  	[sflag:s30] =	ssyncset.done @!p1 $0x0  }
0x8c: {  	[sflag:s30] =	ssyncadd.s32 @!p1 $0xFFFFC000  }
0x8d: {  	_ =	swait.ge @!p1 [sflag:s23], $0x80  }
0x8e: {  	[sflag:s23] =	ssyncset.done @!p1 $0x0  }
0x8f: {  	[sflag:s23] =	ssyncadd.s32 @!p1 $0xFFFFFF80  }
0x90: {  	_ =	swait.ge @!p1 [sflag:s23], $0x80  }
0x91: {  	[sflag:s23] =	ssyncset.done @!p1 $0x0  }
0x92: {  	s25 =	simm.s32 @!p1 $0x400;
	[sflag:s23] =	ssyncadd.s32 @!p1 $0xFFFFFF80;
	s23 =	rddreg [dreg:$0x4]  }
0x93: {  	[tilespmem:s25], [sflag:$0x2] =	stream.indirect.gather @!p1 [hbm4b:s3+s0], $0x80, s1, s0, $0xb8;
	[tilespmem:$0x1C400] =	vst v63  }
0x94: {  	s0 =	rddreg [dreg:$0x5];
	s23 =	sadd.s32 @!p1 $0x0, s23;
	s25 =	simm.s32 @!p1 $0x200  }
0x95: {  	[tilespmem:s25], [sflag:$0x1] =	stream.linear.gather @!p1 [hbm4b:s23+s1], $0x80, $0x38;
	[tilespmem:$0x1C400] =	vst v63  }
0x96: {  	s0 =	sadd.s32 @!p1 $0x0, s0;
	s23 =	simm.s32 @!p1 $0x280  }
0x97: {  	[tilespmem:s23], [sflag:$0x1] =	stream.linear.gather @!p1 [hbm4b:s0+s1], $0x80, $0x38;
	[tilespmem:$0x1C400] =	vst v63  }
0x98: {  	s30 =	simm.s32 $0x40;
	_ =	swait.ge [sflag:s28], $0x4000  }
.LBB2_4:
0x99: {  	[sflag:s28] =	ssyncset.done $0x0  }
0x9a: {  	[sflag:s28] =	ssyncadd.s32 $0xFFFFC000  }
0x9b: {  	_ =	swait.ge [sflag:s26], $0x80  }
0x9c: {  	[sflag:s26] =	ssyncset.done $0x0  }
0x9d: {  	[sflag:s26] =	ssyncadd.s32 $0xFFFFFF80  }
0x9e: {  	_ =	swait.ge [sflag:s26], $0x80  }
0x9f: {  	s31 =	smov.u32 s30;
	[sflag:s26] =	ssyncset.done $0x0  }
0xa0: {  	s1 =	sadd.s32 s31, s17;
	s0 =	rddreg [dreg:$0x8];
	[sflag:s26] =	ssyncadd.s32 $0xFFFFFF80  }
0xa1: {  	[tilespmem:s0], [sflag:$0x2] =	stream.indirect.gather [hbm4b:s3+s21], $0x80, s22, s21, $0xb8;
	[tilespmem:$0x1C400] =	vst v63  }
0xa2: {  	s9 =	sadd.s32 s31, s18;
	s8 =	sadd.s32 $0x30, s1;
	s23 =	rddreg [dreg:$0x9]  }
0xa3: {  	[tilespmem:s23], [sflag:$0x1] =	stream.linear.gather [hbm4b:s8+s2], $0x80, $0x38;
	[tilespmem:$0x1C400] =	vst v63  }
0xa4: {  	s25 =	rddreg [dreg:$0xa];
	s23 =	sadd.s32 $0x30, s9  }
0xa5: {  	[tilespmem:s25], [sflag:$0x1] =	stream.linear.gather [hbm4b:s23+s2], $0x80, $0x38;
	[tilespmem:$0x1C400] =	vst v63  }
0xa6: {  	_ =	swait.ge [sflag:s28], $0x4000  }
0xa7: {  	[sflag:s28] =	ssyncset.done $0x0  }
0xa8: {  	[sflag:s28] =	ssyncadd.s32 $0xFFFFC000  }
0xa9: {  	_ =	swait.ge [sflag:s26], $0x80  }
0xaa: {  	[sflag:s26] =	ssyncset.done $0x0  }
0xab: {  	[sflag:s26] =	ssyncadd.s32 $0xFFFFFF80  }
0xac: {  	_ =	swait.ge [sflag:s26], $0x80  }
0xad: {  	p2 =	seq.s32 s31, $0x4C0;
	[sflag:s26] =	ssyncset.done $0x0  }
0xae: {  	s1 =	simm.s32 @p2 $0x2;
	[sflag:s26] =	ssyncadd.s32 $0xFFFFFF80  }
0xaf: {  	[tilespmem:s19], [sflag:$0x2] =	stream.indirect.gather [hbm4b:s3+s21], $0x80, s24, s21, $0xb8;
	[tilespmem:$0x1C400] =	vst v63  }
0xb0: {  	s0 =	sadd.s32 @!p2 s31, s17;
	_ =	swait.ge @p2 [sflag:s1], $0x4000  }
0xb1: {  	s25 =	sadd.s32 @!p2 s31, s18;
	s23 =	sadd.s32 @!p2 $0x50, s0;
	[sflag:s1] =	ssyncset.done @p2 $0x0  }
0xb2: {  	s0 =	sadd.s32 @!p2 $0x50, s25;
	s25 =	simm.s32 @p2 $0x1;
	[sflag:s1] =	ssyncadd.s32 @p2 $0xFFFFC000  }
0xb3: {  	_ =	swait.ge @p2 [sflag:s25], $0x80  }
0xb4: {  	[sflag:s25] =	ssyncset.done @p2 $0x0  }
0xb5: {  	[sflag:s25] =	ssyncadd.s32 @p2 $0xFFFFFF80  }
0xb6: {  	_ =	swait.ge @p2 [sflag:s25], $0x80  }
0xb7: {  	s5 =	simm.s32 @p2 $0x4400;
	[sflag:s25] =	ssyncset.done @p2 $0x0  }
0xb8: {  	s6 =	simm.s32 @p2 $0x80;
	s7 =	simm.s32 @p2 $0x300;
	[sflag:s25] =	ssyncadd.s32 @p2 $0xFFFFFF80  }
0xb9: {  	[tilespmem:s5], [sflag:$0x2] =	stream.indirect.gather @p2 [hbm4b:s3+s6], $0x80, s7, s6, $0xb8;
	[tilespmem:$0x1C400] =	vst v63  }
0xba: {  	_ =	swait.ge @p2 [sflag:s1], $0x4000  }
0xbb: {  	s5 =	rddreg [dreg:$0x6]  }
0xbc: {  	[sflag:s1] =	ssyncset.done @p2 $0x0;
	s6 =	rddreg [dreg:$0x7]  }
0xbd: {  	[sflag:s1] =	ssyncadd.s32 @p2 $0xFFFFC000;
	s5 =	sadd.s32 @!p2 s31, s5;
	s1 =	simm.s32 @!p2 $0x0  }
0xbe: {  	[tilespmem:s1], [sflag:$0x1] =	stream.linear.gather @!p2 [hbm4b:s5+s1], $0x80, $0x38;
	[tilespmem:$0x1C400] =	vst v63  }
0xbf: {  	s7 =	simm.s32 @!p2 $0x80;
	s5 =	sadd.s32 @!p2 s31, s6;
	s6 =	simm.s32 @!p2 $0x2  }
0xc0: {  	[tilespmem:s7], [sflag:$0x1] =	stream.linear.gather @!p2 [hbm4b:s5+s1], $0x80, $0x38;
	[tilespmem:$0x1C400] =	vst v63  }
0xc1: {  	_ =	swait.ge @!p2 [sflag:s6], $0x4000  }
0xc2: {  	[sflag:s6] =	ssyncset.done @!p2 $0x0  }
0xc3: {  	s5 =	simm.s32 @!p2 $0x1;
	[sflag:s6] =	ssyncadd.s32 @!p2 $0xFFFFC000  }
0xc4: {  	_ =	swait.ge @!p2 [sflag:s5], $0x80  }
0xc5: {  	[sflag:s5] =	ssyncset.done @!p2 $0x0  }
0xc6: {  	[sflag:s5] =	ssyncadd.s32 @!p2 $0xFFFFFF80  }
0xc7: {  	_ =	swait.ge @!p2 [sflag:s5], $0x80  }
0xc8: {  	[sflag:s5] =	ssyncset.done @!p2 $0x0  }
0xc9: {  	s8 =	simm.s32 @!p2 $0x4400;
	s25 =	simm.s32 @!p2 $0x300;
	[sflag:s5] =	ssyncadd.s32 @!p2 $0xFFFFFF80  }
0xca: {  	[tilespmem:s8], [sflag:$0x2] =	stream.indirect.gather @!p2 [hbm4b:s3+s7], $0x80, s25, s7, $0xb8;
	[tilespmem:$0x1C400] =	vst v63  }
0xcb: {  	s9 =	simm.s32 @!p2 $0x100  }
0xcc: {  	[tilespmem:s9], [sflag:$0x1] =	stream.linear.gather @!p2 [hbm4b:s23+s1], $0x80, $0x38;
	[tilespmem:$0x1C400] =	vst v63  }
0xcd: {  	s8 =	simm.s32 @!p2 $0x180  }
0xce: {  	[tilespmem:s8], [sflag:$0x1] =	stream.linear.gather @!p2 [hbm4b:s0+s1], $0x80, $0x38;
	[tilespmem:$0x1C400] =	vst v63  }
0xcf: {  	_ =	swait.ge @!p2 [sflag:s6], $0x4000  }
0xd0: {  	[sflag:s6] =	ssyncset.done @!p2 $0x0  }
0xd1: {  	[sflag:s6] =	ssyncadd.s32 @!p2 $0xFFFFC000  }
0xd2: {  	_ =	swait.ge @!p2 [sflag:s5], $0x80  }
0xd3: {  	[sflag:s5] =	ssyncset.done @!p2 $0x0  }
0xd4: {  	[sflag:s5] =	ssyncadd.s32 @!p2 $0xFFFFFF80  }
0xd5: {  	s30 =	sadd.s32 $0x40, s30;
	_ =	swait.ge @!p2 [sflag:s5], $0x80  }
0xd6: {  	p1 =	sne.s32 s30, $0x500;
	[sflag:s5] =	ssyncset.done @!p2 $0x0;
	s6 =	rddreg [dreg:$0x4]  }
0xd7: {  	s0 =	simm.s32 @!p2 $0x400;
	[sflag:s5] =	ssyncadd.s32 @!p2 $0xFFFFFF80;
	s5 =	rddreg [dreg:$0x5]  }
0xd8: {  	[tilespmem:s0], [sflag:$0x2] =	stream.indirect.gather @!p2 [hbm4b:s3+s7], $0x80, s1, s7, $0xb8;
	[tilespmem:$0x1C400] =	vst v63  }
.Ltmp1:
0xd9: {  	s0 =	sadd.s32 @!p2 s31, s6;
	s6 =	simm.s32 @!p2 $0x200;
	(pc) =	sbr.rel @p1 .LBB2_4-.Ltmp1, $4  }
0xda: {  	[tilespmem:s6], [sflag:$0x1] =	stream.linear.gather @!p2 [hbm4b:s0+s1], $0x80, $0x38;
	[tilespmem:$0x1C400] =	vst v63  }
0xdb: {  	s7 =	simm.s32 @!p2 $0x280;
	s0 =	sadd.s32 @!p2 s31, s5  }
0xdc: {  	[tilespmem:s7], [sflag:$0x1] =	stream.linear.gather @!p2 [hbm4b:s0+s1], $0x80, $0x38;
	[tilespmem:$0x1C400] =	vst v63  }
0xdd: {  	_ =	swait.ge [sflag:s28], $0x4000  }
0xde: {  	[sflag:s28] =	ssyncset.done $0x0  }
0xdf: {  	[sflag:s28] =	ssyncadd.s32 $0xFFFFC000  }
0xe0: {  	[bflag:$0x0] =	sbarrier.arrive $0xFFFF  }
0xe1: {  	s29 =	sadd.s32 $0x1, s29;
	s0 =	rddreg [dreg:$0x2]  }
0xe2: {  	s1 =	simm.s32 @!p0 $0x1C03;
	p1 =	sne.s32 s29, s16;
	s0 =	sshrl.u32 @!p0 s0, $0x3  }
0xe3: {  	[hbm:s15], [sflag:s1] =	dma.local @!p0 [spmem:s0], $0x28000  }
.Ltmp2:
0xe4: {  	_ = 	snop;
	(pc) =	sbr.rel @p1 .LBB2_1-.Ltmp2, $4  }
0xe5: {  	s0 =	simm.s32 @!p0 $0x3  }
0xe6: {  	_ =	swait.ge @!p0 [sflag:s0], $0x28000  }
0xe7: {  	[sflag:s0] =	ssyncset.done @!p0 $0x0  }
0xe8: {  	[sflag:s0] =	ssyncadd.s32 @!p0 $0xFFFD8000  }
0xe9: {  	_ =	sfence.sel $0x180000  }
0xea: {  	[bflag:$0x0] =	sbarrier.arrive $0xFFFF  }
0xeb: {  	_ =	strace $0x9000004A  }
0xec: {  	[bflag:$0x2] =	sbarrier.arrive $0xFFFF  }
0xed: {  	s0 =	rddreg [dreg:$0x3]  }
0xee: {  	s0 =	sadd.s32 @!p0 $0x100000, s0  }
0xef: {  	[sflag:s0] =	ssyncadd.tile.s32 @!p0 $0x1;
	_ =	shalt  }
.Lfunc_end2:
_tile_overlayer_lowered:
.L_overlay_start_2:
0xf0: {  	(tag) =	ssettag $0x2  }
0xf1: {  	s0 =	rddreg [dreg:$0x0];
	s2 =	stileid.u32  }
0xf2: {  	s1 =	rddreg [dreg:$0x1];
	p0 =	sne.s32 s2, $0x0  }
0xf3: {  	s3 =	rddreg [dreg:$0x2];
	[bflag:$0x3] =	sbarrier.arrive $0xFFFF;
	s2 =	simm.s32 @!p0 $0x1C03  }
0xf4: {  	[timem:s3], [sflag:s2] =	dma.local @!p0 [hbm:s0], s1  }
0xf5: {  	s0 =	simm.s32 @!p0 $0x3  }
0xf6: {  	_ =	swait.ge @!p0 [sflag:s0], s1  }
0xf7: {  	s1 =	ssub.s32 @!p0 $0x0, s1;
	[sflag:s0] =	ssyncset.done @!p0 $0x0  }
0xf8: {  	[sflag:s0] =	ssyncadd.s32 @!p0 s1  }
0xf9: {  	[bflag:$0x3] =	sbarrier.arrive $0xFFFF  }
0xfa: {  	_ =	shalt  }

</sc_bundles>
